<compile_context>
chip_gen: v7x
topology: tpu7x:2x2x1
jax: 0.10.2.dev20260603
libtpu: 0.0.44.dev20260713+nightly
codegen_flags: <defaults>
</compile_context>

<pallas_src>
import functools

import jax
import jax.numpy as jnp
from jax import lax
from jax.experimental import pallas as pl
from jax.experimental.pallas import tpu as pltpu
from jax.experimental.pallas import tpu_sc as plsc

NUM_EMB = 1000000
EMBED_DIM = 32
BATCH = 16384
N_FIELDS = 26

NUM_CORES = 2
NUM_SUBCORES = 16
NUM_WORKERS = NUM_CORES * NUM_SUBCORES
BB = 128
NBB = BATCH // BB
N_BLOCKS = N_FIELDS * NBB
BLOCKS_PER_W = N_BLOCKS // NUM_WORKERS

_mesh = plsc.VectorSubcoreMesh(core_axis_name="c", subcore_axis_name="s")


OB_STRIDE = 129


def _transpose_block(rows_v, obuf):
    lane = lax.iota(jnp.int32, 16)
    hi = lane + 16

    @plsc.parallel_loop(0, BB, 1, unroll=8)
    def _(l):
        v0 = rows_v[l, pl.ds(0, 16)]
        v1 = rows_v[l, pl.ds(16, 16)]
        col = jnp.full((16,), l, jnp.int32)
        plsc.store_scatter(obuf, [lane, col], v0)
        plsc.store_scatter(obuf, [hi, col], v1)


@functools.partial(
    pl.kernel,
    mesh=_mesh,
    out_type=jax.ShapeDtypeStruct((N_BLOCKS * 4, 8, BB), jnp.float32),
    scratch_types=[
        pltpu.VMEM((BB,), jnp.int32),
        pltpu.VMEM((BB,), jnp.int32),
        pltpu.VMEM((BB, EMBED_DIM), jnp.float32),
        pltpu.VMEM((BB, EMBED_DIM), jnp.float32),
        pltpu.VMEM((EMBED_DIM, OB_STRIDE), jnp.float32),
        pltpu.VMEM((EMBED_DIM, OB_STRIDE), jnp.float32),
        pltpu.SemaphoreType.DMA,
        pltpu.SemaphoreType.DMA,
        pltpu.SemaphoreType.DMA,
        pltpu.SemaphoreType.DMA,
    ],
    compiler_params=pltpu.CompilerParams(use_tc_tiling_on_sc=False,
                                         needs_layout_passes=False),
)
def _emb_lookup(idx_hbm, table_hbm, out_hbm, idx0, idx1, rows0, rows1,
                ob0, ob1, g0, g1, w0, w1):
    wid = lax.axis_index("s") * NUM_CORES + lax.axis_index("c")
    g_base = wid * BLOCKS_PER_W

    def body(half, carry):
        k0 = g_base + 2 * half
        handles = []
        for (koff, idxv, rows, gsem) in ((0, idx0, rows0, g0),
                                         (1, idx1, rows1, g1)):
            g = k0 + koff
            f = g // NBB
            bb = g % NBB
            pltpu.sync_copy(idx_hbm.at[f, pl.ds(bb * BB, BB)], idxv)
            handles.append(pltpu.async_copy(table_hbm.at[idxv], rows, gsem))
        wr = []
        for (koff, rows, obuf, gh, wsem) in ((0, rows0, ob0, handles[0], w0),
                                             (1, rows1, ob1, handles[1], w1)):
            g = k0 + koff
            f = g // NBB
            bb = g % NBB
            gh.wait()
            _transpose_block(rows, obuf)
            for db in range(4):
                r = (f * 4 + db) * BB + bb
                wr.append(pltpu.async_copy(
                    obuf.at[pl.ds(db * 8, 8), pl.ds(0, BB)],
                    out_hbm.at[r], wsem))
        for h in wr:
            h.wait()
        return carry

    lax.fori_loop(0, BLOCKS_PER_W // 2, body, 0)


SB = 512
N_SB = 1953


@functools.partial(
    pl.kernel,
    mesh=_mesh,
    out_type=jax.ShapeDtypeStruct((NUM_EMB * EMBED_DIM,), jnp.float32),
    scratch_types=[
        pltpu.VMEM((EMBED_DIM, SB), jnp.float32),
        pltpu.VMEM((EMBED_DIM, SB), jnp.float32),
        pltpu.VMEM((SB * 33,), jnp.float32),
        pltpu.VMEM((SB * EMBED_DIM,), jnp.float32),
        pltpu.VMEM((SB * EMBED_DIM,), jnp.float32),
        pltpu.SemaphoreType.DMA,
        pltpu.SemaphoreType.DMA,
        pltpu.SemaphoreType.DMA,
        pltpu.SemaphoreType.DMA,
    ],
    compiler_params=pltpu.CompilerParams(use_tc_tiling_on_sc=True,
                                         needs_layout_passes=False,
                                         disable_bounds_checks=True),
)
def _detile(wt_hbm, stag_hbm, ti0, ti1, tm, tb0, tb1, r0, r1, w0, w1):
    wid = lax.axis_index("s") * NUM_CORES + lax.axis_index("c")
    start = wid * 61 + jnp.minimum(wid, N_SB - 61 * NUM_WORKERS)
    iota33 = lax.iota(jnp.int32, 16) * 33

    def transpose_in(ti, tb, n):
        @plsc.parallel_loop(0, EMBED_DIM * (n // 16), 1, unroll=8)
        def _(t):
            d = t % EMBED_DIM
            lg = t // EMBED_DIM
            v = ti[d, pl.ds(lg * 16, 16)]
            plsc.store_scatter(tm, [iota33 + (lg * (16 * 33) + d)], v)

        @plsc.parallel_loop(0, 2 * n, 1, unroll=8)
        def _(u):
            le = u // 2
            d0 = (u % 2) * 16
            tb[pl.ds(le * EMBED_DIM + d0, 16)] = tm[pl.ds(le * 33 + d0, 16)]

    def body(half, carry):
        k0 = 2 * half
        rds = []
        for (koff, ti, rsem) in ((0, ti0, r0), (1, ti1, r1)):
            c0 = jnp.minimum(start + k0 + koff, N_SB - 1) * SB
            rds.append(pltpu.async_copy(
                wt_hbm.at[:, pl.ds(c0, SB)], ti, rsem))
        wrs = []
        for (koff, ti, tb, rh, wsem) in ((0, ti0, tb0, rds[0], w0),
                                         (1, ti1, tb1, rds[1], w1)):
            c0 = jnp.minimum(start + k0 + koff, N_SB - 1) * SB
            rh.wait()
            transpose_in(ti, tb, SB)
            wrs.append(pltpu.async_copy(
                tb, stag_hbm.at[pl.ds(c0 * EMBED_DIM, SB * EMBED_DIM)],
                wsem))
        for h in wrs:
            h.wait()
        return carry

    lax.fori_loop(0, 31, body, 0)

    tail_c0 = N_SB * SB + wid * 0
    h = pltpu.async_copy(wt_hbm.at[:, pl.ds(tail_c0, BB)],
                         ti0.at[:, pl.ds(0, BB)], r0)
    h.wait()
    transpose_in(ti0, tb0, BB)
    pltpu.async_copy(tb0.at[pl.ds(0, 64 * EMBED_DIM)],
                     stag_hbm.at[pl.ds(N_SB * SB * EMBED_DIM,
                                       64 * EMBED_DIM)], w0).wait()


def kernel(batch_cat, weight):
    idx_t = batch_cat.T.astype(jnp.int32)
    stag = _detile(weight.T)
    table = stag.reshape(NUM_EMB, EMBED_DIM)
    out3 = _emb_lookup(idx_t, table)
    out = (out3.reshape(N_FIELDS, 4, NBB, 8, BB)
           .transpose(2, 4, 0, 1, 3)
           .reshape(BATCH, N_FIELDS, EMBED_DIM))
    return out

# --- scband reference (transcript-rebuilt; emitter-appended) ---
"""Pipeline reference for scband-embedding-layer-40209483825176 (READ-ONLY COPY).

The authoritative reference and input builder live on the scoring server;
editing this copy changes nothing except your own understanding.
"""

import jax, jax.numpy as jnp
import numpy as np

NUM_EMB = 1000000
EMBED_DIM = 32
BATCH = 16384
N_FIELDS = 26

def setup_inputs(seed: int = 0) -> dict:
    key = jax.random.key(seed)
    k_idx, k_w = jax.random.split(key)
    batch_cat = jax.random.randint(k_idx, (BATCH, N_FIELDS), 0, NUM_EMB, dtype=jnp.int64 if jax.config.jax_enable_x64 else jnp.int32)
    # xavier_uniform init for embedding table [NUM_EMB, EMBED_DIM]
    limit = float(np.sqrt(6.0 / (NUM_EMB + EMBED_DIM)))
    weight = jax.random.uniform(k_w, (NUM_EMB, EMBED_DIM), dtype=jnp.float32, minval=-limit, maxval=limit)
    return {"batch_cat": batch_cat, "weight": weight}

def reference(batch_cat, weight):
    # nn.Embedding lookup: gather rows of the table
    batch_embedding = jnp.take(weight, batch_cat, axis=0)
    return batch_embedding

if __name__ == "__main__":
    import jax
    _d = setup_inputs()
    print(jax.jit(kernel)(*tuple(_d.values())))

</pallas_src>

<mosaic_0001>
#map = affine_map<(d0, d1) -> (0, 0)>
#map1 = affine_map<(d0, d1) -> (0, 0, 0)>
module attributes {stable_mosaic.version = 14 : i64} {
  func.func @_emb_lookup(%arg0: i32, %arg1: i32, %arg2: memref<26x16384xi32, #tpu.memory_space<hbm>>, %arg3: memref<1000000x32xf32, #tpu.memory_space<hbm>>, %arg4: memref<13312x8x128xf32, #tpu.memory_space<hbm>>, %arg5: memref<128xi32, #tpu.memory_space<vmem>>, %arg6: memref<128xi32, #tpu.memory_space<vmem>>, %arg7: memref<128x32xf32, #tpu.memory_space<vmem>>, %arg8: memref<128x32xf32, #tpu.memory_space<vmem>>, %arg9: memref<32x129xf32, #tpu.memory_space<vmem>>, %arg10: memref<32x129xf32, #tpu.memory_space<vmem>>, %arg11: memref<!tpu.dma_semaphore, #tpu.memory_space<semaphore_mem>>, %arg12: memref<!tpu.dma_semaphore, #tpu.memory_space<semaphore_mem>>, %arg13: memref<!tpu.dma_semaphore, #tpu.memory_space<semaphore_mem>>, %arg14: memref<!tpu.dma_semaphore, #tpu.memory_space<semaphore_mem>>) attributes {dimension_semantics = [#tpu.dimension_semantics<core_parallel>, #tpu.dimension_semantics<subcore_parallel>], iteration_bounds = array<i64: 2, 16>, scalar_prefetch = 0 : i64, scratch_operands = 10 : i64, tpu.core_type = #tpu.core_type<sc_vector_subcore>, window_params = [{transform_indices = #map}, {transform_indices = #map}, {transform_indices = #map1}]} {
    %mul3A = arith.constant 2 : i32
    %mul3A_0 = arith.muli %arg1, %mul3A : i32
    %add3A = arith.addi %mul3A_0, %arg0 : i32
    %mul3A_1 = arith.constant 104 : i32
    %mul3A_2 = arith.muli %add3A, %mul3A_1 : i32
    %scan3A = arith.constant 0 : i32
    %scan3A_3 = arith.constant 0 : i32
    %scan3A_4 = arith.constant 52 : i32
    %scan3A_5 = arith.addi %scan3A_3, %scan3A_4 : i32
    %scan3A_6 = arith.constant 1 : i32
    scf.for %scan3A_8 = %scan3A_3 to %scan3A_5 step %scan3A_6  : i32 {
      %mul3A_9 = arith.constant 2 : i32
      %mul3A_10 = arith.muli %mul3A_9, %scan3A_8 : i32
      %add3A_11 = arith.addi %mul3A_2, %mul3A_10 : i32
      %add3A_12 = arith.constant 0 : i32
      %add3A_13 = arith.addi %add3A_11, %add3A_12 : i32
      %jit3A = arith.constant 128 : i32
      %div3A = arith.divsi %add3A_13, %jit3A : i32
      %sign3A = arith.constant 0 : i32
      %sign3A_14 = arith.cmpi sgt, %add3A_13, %sign3A : i32
      %sign3A_15 = arith.extui %sign3A_14 : i1 to i32
      %sign3A_16 = arith.constant 0 : i32
      %sign3A_17 = arith.cmpi slt, %add3A_13, %sign3A_16 : i32
      %sign3A_18 = arith.extui %sign3A_17 : i1 to i32
      %sign3A_19 = arith.subi %sign3A_15, %sign3A_18 : i32
      %sign3A_20 = arith.constant 0 : i32
      %sign3A_21 = arith.cmpi sgt, %jit3A, %sign3A_20 : i32
      %sign3A_22 = arith.extui %sign3A_21 : i1 to i32
      %sign3A_23 = arith.constant 0 : i32
      %sign3A_24 = arith.cmpi slt, %jit3A, %sign3A_23 : i32
      %sign3A_25 = arith.extui %sign3A_24 : i1 to i32
      %sign3A_26 = arith.subi %sign3A_22, %sign3A_25 : i32
      %ne3A = arith.cmpi ne, %sign3A_19, %sign3A_26 : i32
      %rem3A = arith.remsi %add3A_13, %jit3A : i32
      %ne3A_27 = arith.constant 0 : i32
      %ne3A_28 = arith.cmpi ne, %rem3A, %ne3A_27 : i32
      %and3A = arith.andi %ne3A, %ne3A_28 : i1
      %sub3A = arith.constant 1 : i32
      %sub3A_29 = arith.subi %div3A, %sub3A : i32
      %select_n3A = arith.select %and3A, %sub3A_29, %div3A : i32
      %jit3A_30 = arith.constant 128 : i32
      %eq3A = arith.constant 0 : i32
      %eq3A_31 = arith.cmpi eq, %jit3A_30, %eq3A : i32
      %jit3A_32 = arith.constant 1 : i32
      %select_n3A_33 = arith.select %eq3A_31, %jit3A_32, %jit3A_30 : i32
      %rem3A_34 = arith.remsi %add3A_13, %select_n3A_33 : i32
      %ne3A_35 = arith.constant 0 : i32
      %ne3A_36 = arith.cmpi ne, %rem3A_34, %ne3A_35 : i32
      %lt3A = arith.constant 0 : i32
      %lt3A_37 = arith.cmpi slt, %rem3A_34, %lt3A : i32
      %lt3A_38 = arith.constant 0 : i32
      %lt3A_39 = arith.cmpi slt, %select_n3A_33, %lt3A_38 : i32
      %ne3A_40 = arith.xori %lt3A_37, %lt3A_39 : i1
      %and3A_41 = arith.andi %ne3A_40, %ne3A_36 : i1
      %add3A_42 = arith.addi %rem3A_34, %select_n3A_33 : i32
      %select_n3A_43 = arith.select %and3A_41, %add3A_42, %rem3A_34 : i32
      %mul3A_44 = arith.constant 128 : i32
      %mul3A_45 = arith.muli %select_n3A_43, %mul3A_44 : i32
      "tpu.region"() ({
        %run_scoped3A = tpu.sem_alloc : memref<!tpu.dma_semaphore, #tpu.memory_space<semaphore_mem>>
        %dma_start3A_476 = tpu.memref_slice %arg2[%select_n3A, %mul3A_45] : memref<26x16384xi32, #tpu.memory_space<hbm>> -> memref<1x128xi32, #tpu.memory_space<hbm>>
        %dma_start3A_477 = tpu.memref_squeeze %dma_start3A_476 : memref<1x128xi32, #tpu.memory_space<hbm>> -> memref<128xi32, #tpu.memory_space<hbm>>
        %dma_start3A_478 = tpu.memref_slice %arg2[%select_n3A, %mul3A_45] : memref<26x16384xi32, #tpu.memory_space<hbm>> -> memref<1x128xi32, #tpu.memory_space<hbm>>
        %dma_start3A_479 = tpu.memref_squeeze %dma_start3A_478 : memref<1x128xi32, #tpu.memory_space<hbm>> -> memref<128xi32, #tpu.memory_space<hbm>>
        tpu.enqueue_dma source(%dma_start3A_479 : memref<128xi32, #tpu.memory_space<hbm>>) target(%arg5 : memref<128xi32, #tpu.memory_space<vmem>>) target_semaphore(%run_scoped3A : memref<!tpu.dma_semaphore, #tpu.memory_space<semaphore_mem>>)
        %dma_wait3A_480 = tpu.memref_slice %arg2[%select_n3A, %mul3A_45] : memref<26x16384xi32, #tpu.memory_space<hbm>> -> memref<1x128xi32, #tpu.memory_space<hbm>>
        %dma_wait3A_481 = tpu.memref_squeeze %dma_wait3A_480 : memref<1x128xi32, #tpu.memory_space<hbm>> -> memref<128xi32, #tpu.memory_space<hbm>>
        %dma_wait3A_482 = tpu.memref_slice %arg2[%select_n3A, %mul3A_45] : memref<26x16384xi32, #tpu.memory_space<hbm>> -> memref<1x128xi32, #tpu.memory_space<hbm>>
        %dma_wait3A_483 = tpu.memref_squeeze %dma_wait3A_482 : memref<1x128xi32, #tpu.memory_space<hbm>> -> memref<128xi32, #tpu.memory_space<hbm>>
        tpu.wait_dma2 semaphore(%run_scoped3A : memref<!tpu.dma_semaphore, #tpu.memory_space<semaphore_mem>>) src(%dma_wait3A_483 : memref<128xi32, #tpu.memory_space<hbm>>) dst(%arg5 : memref<128xi32, #tpu.memory_space<vmem>>)
        tpu.yield
      }) : () -> ()
      %dma_start3A = arith.constant 0 : i32
      %dma_start3A_46 = arith.constant 0 : i32
      %dma_start3A_47 = tpu.memref_slice %arg3[%dma_start3A, %dma_start3A_46] : memref<1000000x32xf32, #tpu.memory_space<hbm>> -> memref<1000000x32xf32, #tpu.memory_space<hbm>>
      tpu.enqueue_indirect_dma source(%dma_start3A_47 : memref<1000000x32xf32, #tpu.memory_space<hbm>>) target(%arg7 : memref<128x32xf32, #tpu.memory_space<vmem>>) offsets(%arg5 : memref<128xi32, #tpu.memory_space<vmem>>) semaphore(%arg11 : memref<!tpu.dma_semaphore, #tpu.memory_space<semaphore_mem>>)
      %add3A_48 = arith.constant 1 : i32
      %add3A_49 = arith.addi %add3A_11, %add3A_48 : i32
      %jit3A_50 = arith.constant 128 : i32
      %div3A_51 = arith.divsi %add3A_49, %jit3A_50 : i32
      %sign3A_52 = arith.constant 0 : i32
      %sign3A_53 = arith.cmpi sgt, %add3A_49, %sign3A_52 : i32
      %sign3A_54 = arith.extui %sign3A_53 : i1 to i32
      %sign3A_55 = arith.constant 0 : i32
      %sign3A_56 = arith.cmpi slt, %add3A_49, %sign3A_55 : i32
      %sign3A_57 = arith.extui %sign3A_56 : i1 to i32
      %sign3A_58 = arith.subi %sign3A_54, %sign3A_57 : i32
      %sign3A_59 = arith.constant 0 : i32
      %sign3A_60 = arith.cmpi sgt, %jit3A_50, %sign3A_59 : i32
      %sign3A_61 = arith.extui %sign3A_60 : i1 to i32
      %sign3A_62 = arith.constant 0 : i32
      %sign3A_63 = arith.cmpi slt, %jit3A_50, %sign3A_62 : i32
      %sign3A_64 = arith.extui %sign3A_63 : i1 to i32
      %sign3A_65 = arith.subi %sign3A_61, %sign3A_64 : i32
      %ne3A_66 = arith.cmpi ne, %sign3A_58, %sign3A_65 : i32
      %rem3A_67 = arith.remsi %add3A_49, %jit3A_50 : i32
      %ne3A_68 = arith.constant 0 : i32
      %ne3A_69 = arith.cmpi ne, %rem3A_67, %ne3A_68 : i32
      %and3A_70 = arith.andi %ne3A_66, %ne3A_69 : i1
      %sub3A_71 = arith.constant 1 : i32
      %sub3A_72 = arith.subi %div3A_51, %sub3A_71 : i32
      %select_n3A_73 = arith.select %and3A_70, %sub3A_72, %div3A_51 : i32
      %jit3A_74 = arith.constant 128 : i32
      %eq3A_75 = arith.constant 0 : i32
      %eq3A_76 = arith.cmpi eq, %jit3A_74, %eq3A_75 : i32
      %jit3A_77 = arith.constant 1 : i32
      %select_n3A_78 = arith.select %eq3A_76, %jit3A_77, %jit3A_74 : i32
      %rem3A_79 = arith.remsi %add3A_49, %select_n3A_78 : i32
      %ne3A_80 = arith.constant 0 : i32
      %ne3A_81 = arith.cmpi ne, %rem3A_79, %ne3A_80 : i32
      %lt3A_82 = arith.constant 0 : i32
      %lt3A_83 = arith.cmpi slt, %rem3A_79, %lt3A_82 : i32
      %lt3A_84 = arith.constant 0 : i32
      %lt3A_85 = arith.cmpi slt, %select_n3A_78, %lt3A_84 : i32
      %ne3A_86 = arith.xori %lt3A_83, %lt3A_85 : i1
      %and3A_87 = arith.andi %ne3A_86, %ne3A_81 : i1
      %add3A_88 = arith.addi %rem3A_79, %select_n3A_78 : i32
      %select_n3A_89 = arith.select %and3A_87, %add3A_88, %rem3A_79 : i32
      %mul3A_90 = arith.constant 128 : i32
      %mul3A_91 = arith.muli %select_n3A_89, %mul3A_90 : i32
      "tpu.region"() ({
        %run_scoped3A = tpu.sem_alloc : memref<!tpu.dma_semaphore, #tpu.memory_space<semaphore_mem>>
        %dma_start3A_476 = tpu.memref_slice %arg2[%select_n3A_73, %mul3A_91] : memref<26x16384xi32, #tpu.memory_space<hbm>> -> memref<1x128xi32, #tpu.memory_space<hbm>>
        %dma_start3A_477 = tpu.memref_squeeze %dma_start3A_476 : memref<1x128xi32, #tpu.memory_space<hbm>> -> memref<128xi32, #tpu.memory_space<hbm>>
        %dma_start3A_478 = tpu.memref_slice %arg2[%select_n3A_73, %mul3A_91] : memref<26x16384xi32, #tpu.memory_space<hbm>> -> memref<1x128xi32, #tpu.memory_space<hbm>>
        %dma_start3A_479 = tpu.memref_squeeze %dma_start3A_478 : memref<1x128xi32, #tpu.memory_space<hbm>> -> memref<128xi32, #tpu.memory_space<hbm>>
        tpu.enqueue_dma source(%dma_start3A_479 : memref<128xi32, #tpu.memory_space<hbm>>) target(%arg6 : memref<128xi32, #tpu.memory_space<vmem>>) target_semaphore(%run_scoped3A : memref<!tpu.dma_semaphore, #tpu.memory_space<semaphore_mem>>)
        %dma_wait3A_480 = tpu.memref_slice %arg2[%select_n3A_73, %mul3A_91] : memref<26x16384xi32, #tpu.memory_space<hbm>> -> memref<1x128xi32, #tpu.memory_space<hbm>>
        %dma_wait3A_481 = tpu.memref_squeeze %dma_wait3A_480 : memref<1x128xi32, #tpu.memory_space<hbm>> -> memref<128xi32, #tpu.memory_space<hbm>>
        %dma_wait3A_482 = tpu.memref_slice %arg2[%select_n3A_73, %mul3A_91] : memref<26x16384xi32, #tpu.memory_space<hbm>> -> memref<1x128xi32, #tpu.memory_space<hbm>>
        %dma_wait3A_483 = tpu.memref_squeeze %dma_wait3A_482 : memref<1x128xi32, #tpu.memory_space<hbm>> -> memref<128xi32, #tpu.memory_space<hbm>>
        tpu.wait_dma2 semaphore(%run_scoped3A : memref<!tpu.dma_semaphore, #tpu.memory_space<semaphore_mem>>) src(%dma_wait3A_483 : memref<128xi32, #tpu.memory_space<hbm>>) dst(%arg6 : memref<128xi32, #tpu.memory_space<vmem>>)
        tpu.yield
      }) : () -> ()
      %dma_start3A_92 = arith.constant 0 : i32
      %dma_start3A_93 = arith.constant 0 : i32
      %dma_start3A_94 = tpu.memref_slice %arg3[%dma_start3A_92, %dma_start3A_93] : memref<1000000x32xf32, #tpu.memory_space<hbm>> -> memref<1000000x32xf32, #tpu.memory_space<hbm>>
      tpu.enqueue_indirect_dma source(%dma_start3A_94 : memref<1000000x32xf32, #tpu.memory_space<hbm>>) target(%arg8 : memref<128x32xf32, #tpu.memory_space<vmem>>) offsets(%arg6 : memref<128xi32, #tpu.memory_space<vmem>>) semaphore(%arg12 : memref<!tpu.dma_semaphore, #tpu.memory_space<semaphore_mem>>)
      %add3A_95 = arith.constant 0 : i32
      %add3A_96 = arith.addi %add3A_11, %add3A_95 : i32
      %jit3A_97 = arith.constant 128 : i32
      %div3A_98 = arith.divsi %add3A_96, %jit3A_97 : i32
      %sign3A_99 = arith.constant 0 : i32
      %sign3A_100 = arith.cmpi sgt, %add3A_96, %sign3A_99 : i32
      %sign3A_101 = arith.extui %sign3A_100 : i1 to i32
      %sign3A_102 = arith.constant 0 : i32
      %sign3A_103 = arith.cmpi slt, %add3A_96, %sign3A_102 : i32
      %sign3A_104 = arith.extui %sign3A_103 : i1 to i32
      %sign3A_105 = arith.subi %sign3A_101, %sign3A_104 : i32
      %sign3A_106 = arith.constant 0 : i32
      %sign3A_107 = arith.cmpi sgt, %jit3A_97, %sign3A_106 : i32
      %sign3A_108 = arith.extui %sign3A_107 : i1 to i32
      %sign3A_109 = arith.constant 0 : i32
      %sign3A_110 = arith.cmpi slt, %jit3A_97, %sign3A_109 : i32
      %sign3A_111 = arith.extui %sign3A_110 : i1 to i32
      %sign3A_112 = arith.subi %sign3A_108, %sign3A_111 : i32
      %ne3A_113 = arith.cmpi ne, %sign3A_105, %sign3A_112 : i32
      %rem3A_114 = arith.remsi %add3A_96, %jit3A_97 : i32
      %ne3A_115 = arith.constant 0 : i32
      %ne3A_116 = arith.cmpi ne, %rem3A_114, %ne3A_115 : i32
      %and3A_117 = arith.andi %ne3A_113, %ne3A_116 : i1
      %sub3A_118 = arith.constant 1 : i32
      %sub3A_119 = arith.subi %div3A_98, %sub3A_118 : i32
      %select_n3A_120 = arith.select %and3A_117, %sub3A_119, %div3A_98 : i32
      %jit3A_121 = arith.constant 128 : i32
      %eq3A_122 = arith.constant 0 : i32
      %eq3A_123 = arith.cmpi eq, %jit3A_121, %eq3A_122 : i32
      %jit3A_124 = arith.constant 1 : i32
      %select_n3A_125 = arith.select %eq3A_123, %jit3A_124, %jit3A_121 : i32
      %rem3A_126 = arith.remsi %add3A_96, %select_n3A_125 : i32
      %ne3A_127 = arith.constant 0 : i32
      %ne3A_128 = arith.cmpi ne, %rem3A_126, %ne3A_127 : i32
      %lt3A_129 = arith.constant 0 : i32
      %lt3A_130 = arith.cmpi slt, %rem3A_126, %lt3A_129 : i32
      %lt3A_131 = arith.constant 0 : i32
      %lt3A_132 = arith.cmpi slt, %select_n3A_125, %lt3A_131 : i32
      %ne3A_133 = arith.xori %lt3A_130, %lt3A_132 : i1
      %and3A_134 = arith.andi %ne3A_133, %ne3A_128 : i1
      %add3A_135 = arith.addi %rem3A_126, %select_n3A_125 : i32
      %select_n3A_136 = arith.select %and3A_134, %add3A_135, %rem3A_126 : i32
      %dma_wait3A = arith.constant 0 : i32
      %dma_wait3A_137 = arith.constant 0 : i32
      %dma_wait3A_138 = tpu.memref_slice %arg3[%dma_wait3A, %dma_wait3A_137] : memref<1000000x32xf32, #tpu.memory_space<hbm>> -> memref<1000000x32xf32, #tpu.memory_space<hbm>>
      tpu.wait_indirect_dma semaphore(%arg11 : memref<!tpu.dma_semaphore, #tpu.memory_space<semaphore_mem>>) src(%dma_wait3A_138 : memref<1000000x32xf32, #tpu.memory_space<hbm>>) dst(%arg7 : memref<128x32xf32, #tpu.memory_space<vmem>>)
      %iota3A = tpu.iota {dimensions = array<i32: 0>} : vector<16xi32>
      %add3A_139 = arith.constant 16 : i32
      %add3A_140 = vector.broadcast %add3A_139 : i32 to vector<16xi32>
      %add3A_141 = arith.addi %iota3A, %add3A_140 : vector<16xi32>
      %parallel_loop3A = arith.constant 0 : i32
      %parallel_loop3A_142 = arith.constant 128 : i32
      %parallel_loop3A_143 = arith.constant 1 : i32
      scf.for %parallel_loop3A_476 = %parallel_loop3A to %parallel_loop3A_142 step %parallel_loop3A_143  : i32 {
        %parallel_loop3A_477 = arith.index_cast %parallel_loop3A_476 : i32 to index
        %parallel_loop3A_478 = arith.constant 0 : index
        %parallel_loop3A_479 = tpu.vector_load %arg7[%parallel_loop3A_477, %parallel_loop3A_478] {strides = array<i32>} : memref<128x32xf32, #tpu.memory_space<vmem>>, vector<16xf32>,
        %parallel_loop3A_480 = arith.index_cast %parallel_loop3A_476 : i32 to index
        %parallel_loop3A_481 = arith.constant 16 : index
        %parallel_loop3A_482 = tpu.vector_load %arg7[%parallel_loop3A_480, %parallel_loop3A_481] {strides = array<i32>} : memref<128x32xf32, #tpu.memory_space<vmem>>, vector<16xf32>,
        %parallel_loop3A_483 = vector.broadcast %parallel_loop3A_476 : i32 to vector<16xi32>
        tpu.vector_store_idx %arg9[%iota3A, %parallel_loop3A_483], %parallel_loop3A_479 : memref<32x129xf32, #tpu.memory_space<vmem>>[vector<16xi32>, vector<16xi32>], vector<16xf32>,
        tpu.vector_store_idx %arg9[%add3A_141, %parallel_loop3A_483], %parallel_loop3A_482 : memref<32x129xf32, #tpu.memory_space<vmem>>[vector<16xi32>, vector<16xi32>], vector<16xf32>,
      } {sc.loop_unroll_factor = 8 : i64, sc.parallel_access}
      %mul3A_144 = arith.constant 4 : i32
      %mul3A_145 = arith.muli %select_n3A_120, %mul3A_144 : i32
      %add3A_146 = arith.constant 0 : i32
      %add3A_147 = arith.addi %mul3A_145, %add3A_146 : i32
      %mul3A_148 = arith.constant 128 : i32
      %mul3A_149 = arith.muli %add3A_147, %mul3A_148 : i32
      %add3A_150 = arith.addi %mul3A_149, %select_n3A_136 : i32
      %dma_start3A_151 = arith.constant 0 : i32
      %dma_start3A_152 = arith.constant 0 : i32
      %dma_start3A_153 = tpu.memref_slice %arg9[%dma_start3A_151, %dma_start3A_152] : memref<32x129xf32, #tpu.memory_space<vmem>> -> memref<8x128xf32, #tpu.memory_space<vmem>>
      %dma_start3A_154 = arith.constant 0 : i32
      %dma_start3A_155 = arith.constant 0 : i32
      %dma_start3A_156 = tpu.memref_slice %arg4[%add3A_150, %dma_start3A_154, %dma_start3A_155] : memref<13312x8x128xf32, #tpu.memory_space<hbm>> -> memref<1x8x128xf32, #tpu.memory_space<hbm>>
      %dma_start3A_157 = tpu.memref_squeeze %dma_start3A_156 : memref<1x8x128xf32, #tpu.memory_space<hbm>> -> memref<8x128xf32, #tpu.memory_space<hbm>>
      %dma_start3A_158 = arith.constant 0 : i32
      %dma_start3A_159 = arith.constant 0 : i32
      %dma_start3A_160 = tpu.memref_slice %arg4[%add3A_150, %dma_start3A_158, %dma_start3A_159] : memref<13312x8x128xf32, #tpu.memory_space<hbm>> -> memref<1x8x128xf32, #tpu.memory_space<hbm>>
      %dma_start3A_161 = tpu.memref_squeeze %dma_start3A_160 : memref<1x8x128xf32, #tpu.memory_space<hbm>> -> memref<8x128xf32, #tpu.memory_space<hbm>>
      %dma_start3A_162 = arith.constant 0 : i32
      %dma_start3A_163 = arith.constant 0 : i32
      %dma_start3A_164 = tpu.memref_slice %arg9[%dma_start3A_162, %dma_start3A_163] : memref<32x129xf32, #tpu.memory_space<vmem>> -> memref<8x128xf32, #tpu.memory_space<vmem>>
      tpu.enqueue_dma source(%dma_start3A_164 : memref<8x128xf32, #tpu.memory_space<vmem>>) target(%dma_start3A_161 : memref<8x128xf32, #tpu.memory_space<hbm>>) target_semaphore(%arg13 : memref<!tpu.dma_semaphore, #tpu.memory_space<semaphore_mem>>)
      %mul3A_165 = arith.constant 4 : i32
      %mul3A_166 = arith.muli %select_n3A_120, %mul3A_165 : i32
      %add3A_167 = arith.constant 1 : i32
      %add3A_168 = arith.addi %mul3A_166, %add3A_167 : i32
      %mul3A_169 = arith.constant 128 : i32
      %mul3A_170 = arith.muli %add3A_168, %mul3A_169 : i32
      %add3A_171 = arith.addi %mul3A_170, %select_n3A_136 : i32
      %dma_start3A_172 = arith.constant 8 : i32
      %dma_start3A_173 = arith.constant 0 : i32
      %dma_start3A_174 = tpu.memref_slice %arg9[%dma_start3A_172, %dma_start3A_173] : memref<32x129xf32, #tpu.memory_space<vmem>> -> memref<8x128xf32, #tpu.memory_space<vmem>>
      %dma_start3A_175 = arith.constant 0 : i32
      %dma_start3A_176 = arith.constant 0 : i32
      %dma_start3A_177 = tpu.memref_slice %arg4[%add3A_171, %dma_start3A_175, %dma_start3A_176] : memref<13312x8x128xf32, #tpu.memory_space<hbm>> -> memref<1x8x128xf32, #tpu.memory_space<hbm>>
      %dma_start3A_178 = tpu.memref_squeeze %dma_start3A_177 : memref<1x8x128xf32, #tpu.memory_space<hbm>> -> memref<8x128xf32, #tpu.memory_space<hbm>>
      %dma_start3A_179 = arith.constant 0 : i32
      %dma_start3A_180 = arith.constant 0 : i32
      %dma_start3A_181 = tpu.memref_slice %arg4[%add3A_171, %dma_start3A_179, %dma_start3A_180] : memref<13312x8x128xf32, #tpu.memory_space<hbm>> -> memref<1x8x128xf32, #tpu.memory_space<hbm>>
      %dma_start3A_182 = tpu.memref_squeeze %dma_start3A_181 : memref<1x8x128xf32, #tpu.memory_space<hbm>> -> memref<8x128xf32, #tpu.memory_space<hbm>>
      %dma_start3A_183 = arith.constant 8 : i32
      %dma_start3A_184 = arith.constant 0 : i32
      %dma_start3A_185 = tpu.memref_slice %arg9[%dma_start3A_183, %dma_start3A_184] : memref<32x129xf32, #tpu.memory_space<vmem>> -> memref<8x128xf32, #tpu.memory_space<vmem>>
      tpu.enqueue_dma source(%dma_start3A_185 : memref<8x128xf32, #tpu.memory_space<vmem>>) target(%dma_start3A_182 : memref<8x128xf32, #tpu.memory_space<hbm>>) target_semaphore(%arg13 : memref<!tpu.dma_semaphore, #tpu.memory_space<semaphore_mem>>)
      %mul3A_186 = arith.constant 4 : i32
      %mul3A_187 = arith.muli %select_n3A_120, %mul3A_186 : i32
      %add3A_188 = arith.constant 2 : i32
      %add3A_189 = arith.addi %mul3A_187, %add3A_188 : i32
      %mul3A_190 = arith.constant 128 : i32
      %mul3A_191 = arith.muli %add3A_189, %mul3A_190 : i32
      %add3A_192 = arith.addi %mul3A_191, %select_n3A_136 : i32
      %dma_start3A_193 = arith.constant 16 : i32
      %dma_start3A_194 = arith.constant 0 : i32
      %dma_start3A_195 = tpu.memref_slice %arg9[%dma_start3A_193, %dma_start3A_194] : memref<32x129xf32, #tpu.memory_space<vmem>> -> memref<8x128xf32, #tpu.memory_space<vmem>>
      %dma_start3A_196 = arith.constant 0 : i32
      %dma_start3A_197 = arith.constant 0 : i32
      %dma_start3A_198 = tpu.memref_slice %arg4[%add3A_192, %dma_start3A_196, %dma_start3A_197] : memref<13312x8x128xf32, #tpu.memory_space<hbm>> -> memref<1x8x128xf32, #tpu.memory_space<hbm>>
      %dma_start3A_199 = tpu.memref_squeeze %dma_start3A_198 : memref<1x8x128xf32, #tpu.memory_space<hbm>> -> memref<8x128xf32, #tpu.memory_space<hbm>>
      %dma_start3A_200 = arith.constant 0 : i32
      %dma_start3A_201 = arith.constant 0 : i32
      %dma_start3A_202 = tpu.memref_slice %arg4[%add3A_192, %dma_start3A_200, %dma_start3A_201] : memref<13312x8x128xf32, #tpu.memory_space<hbm>> -> memref<1x8x128xf32, #tpu.memory_space<hbm>>
      %dma_start3A_203 = tpu.memref_squeeze %dma_start3A_202 : memref<1x8x128xf32, #tpu.memory_space<hbm>> -> memref<8x128xf32, #tpu.memory_space<hbm>>
      %dma_start3A_204 = arith.constant 16 : i32
      %dma_start3A_205 = arith.constant 0 : i32
      %dma_start3A_206 = tpu.memref_slice %arg9[%dma_start3A_204, %dma_start3A_205] : memref<32x129xf32, #tpu.memory_space<vmem>> -> memref<8x128xf32, #tpu.memory_space<vmem>>
      tpu.enqueue_dma source(%dma_start3A_206 : memref<8x128xf32, #tpu.memory_space<vmem>>) target(%dma_start3A_203 : memref<8x128xf32, #tpu.memory_space<hbm>>) target_semaphore(%arg13 : memref<!tpu.dma_semaphore, #tpu.memory_space<semaphore_mem>>)
      %mul3A_207 = arith.constant 4 : i32
      %mul3A_208 = arith.muli %select_n3A_120, %mul3A_207 : i32
      %add3A_209 = arith.constant 3 : i32
      %add3A_210 = arith.addi %mul3A_208, %add3A_209 : i32
      %mul3A_211 = arith.constant 128 : i32
      %mul3A_212 = arith.muli %add3A_210, %mul3A_211 : i32
      %add3A_213 = arith.addi %mul3A_212, %select_n3A_136 : i32
      %dma_start3A_214 = arith.constant 24 : i32
      %dma_start3A_215 = arith.constant 0 : i32
      %dma_start3A_216 = tpu.memref_slice %arg9[%dma_start3A_214, %dma_start3A_215] : memref<32x129xf32, #tpu.memory_space<vmem>> -> memref<8x128xf32, #tpu.memory_space<vmem>>
      %dma_start3A_217 = arith.constant 0 : i32
      %dma_start3A_218 = arith.constant 0 : i32
      %dma_start3A_219 = tpu.memref_slice %arg4[%add3A_213, %dma_start3A_217, %dma_start3A_218] : memref<13312x8x128xf32, #tpu.memory_space<hbm>> -> memref<1x8x128xf32, #tpu.memory_space<hbm>>
      %dma_start3A_220 = tpu.memref_squeeze %dma_start3A_219 : memref<1x8x128xf32, #tpu.memory_space<hbm>> -> memref<8x128xf32, #tpu.memory_space<hbm>>
      %dma_start3A_221 = arith.constant 0 : i32
      %dma_start3A_222 = arith.constant 0 : i32
      %dma_start3A_223 = tpu.memref_slice %arg4[%add3A_213, %dma_start3A_221, %dma_start3A_222] : memref<13312x8x128xf32, #tpu.memory_space<hbm>> -> memref<1x8x128xf32, #tpu.memory_space<hbm>>
      %dma_start3A_224 = tpu.memref_squeeze %dma_start3A_223 : memref<1x8x128xf32, #tpu.memory_space<hbm>> -> memref<8x128xf32, #tpu.memory_space<hbm>>
      %dma_start3A_225 = arith.constant 24 : i32
      %dma_start3A_226 = arith.constant 0 : i32
      %dma_start3A_227 = tpu.memref_slice %arg9[%dma_start3A_225, %dma_start3A_226] : memref<32x129xf32, #tpu.memory_space<vmem>> -> memref<8x128xf32, #tpu.memory_space<vmem>>
      tpu.enqueue_dma source(%dma_start3A_227 : memref<8x128xf32, #tpu.memory_space<vmem>>) target(%dma_start3A_224 : memref<8x128xf32, #tpu.memory_space<hbm>>) target_semaphore(%arg13 : memref<!tpu.dma_semaphore, #tpu.memory_space<semaphore_mem>>)
      %add3A_228 = arith.constant 1 : i32
      %add3A_229 = arith.addi %add3A_11, %add3A_228 : i32
      %jit3A_230 = arith.constant 128 : i32
      %div3A_231 = arith.divsi %add3A_229, %jit3A_230 : i32
      %sign3A_232 = arith.constant 0 : i32
      %sign3A_233 = arith.cmpi sgt, %add3A_229, %sign3A_232 : i32
      %sign3A_234 = arith.extui %sign3A_233 : i1 to i32
      %sign3A_235 = arith.constant 0 : i32
      %sign3A_236 = arith.cmpi slt, %add3A_229, %sign3A_235 : i32
      %sign3A_237 = arith.extui %sign3A_236 : i1 to i32
      %sign3A_238 = arith.subi %sign3A_234, %sign3A_237 : i32
      %sign3A_239 = arith.constant 0 : i32
      %sign3A_240 = arith.cmpi sgt, %jit3A_230, %sign3A_239 : i32
      %sign3A_241 = arith.extui %sign3A_240 : i1 to i32
      %sign3A_242 = arith.constant 0 : i32
      %sign3A_243 = arith.cmpi slt, %jit3A_230, %sign3A_242 : i32
      %sign3A_244 = arith.extui %sign3A_243 : i1 to i32
      %sign3A_245 = arith.subi %sign3A_241, %sign3A_244 : i32
      %ne3A_246 = arith.cmpi ne, %sign3A_238, %sign3A_245 : i32
      %rem3A_247 = arith.remsi %add3A_229, %jit3A_230 : i32
      %ne3A_248 = arith.constant 0 : i32
      %ne3A_249 = arith.cmpi ne, %rem3A_247, %ne3A_248 : i32
      %and3A_250 = arith.andi %ne3A_246, %ne3A_249 : i1
      %sub3A_251 = arith.constant 1 : i32
      %sub3A_252 = arith.subi %div3A_231, %sub3A_251 : i32
      %select_n3A_253 = arith.select %and3A_250, %sub3A_252, %div3A_231 : i32
      %jit3A_254 = arith.constant 128 : i32
      %eq3A_255 = arith.constant 0 : i32
      %eq3A_256 = arith.cmpi eq, %jit3A_254, %eq3A_255 : i32
      %jit3A_257 = arith.constant 1 : i32
      %select_n3A_258 = arith.select %eq3A_256, %jit3A_257, %jit3A_254 : i32
      %rem3A_259 = arith.remsi %add3A_229, %select_n3A_258 : i32
      %ne3A_260 = arith.constant 0 : i32
      %ne3A_261 = arith.cmpi ne, %rem3A_259, %ne3A_260 : i32
      %lt3A_262 = arith.constant 0 : i32
      %lt3A_263 = arith.cmpi slt, %rem3A_259, %lt3A_262 : i32
      %lt3A_264 = arith.constant 0 : i32
      %lt3A_265 = arith.cmpi slt, %select_n3A_258, %lt3A_264 : i32
      %ne3A_266 = arith.xori %lt3A_263, %lt3A_265 : i1
      %and3A_267 = arith.andi %ne3A_266, %ne3A_261 : i1
      %add3A_268 = arith.addi %rem3A_259, %select_n3A_258 : i32
      %select_n3A_269 = arith.select %and3A_267, %add3A_268, %rem3A_259 : i32
      %dma_wait3A_270 = arith.constant 0 : i32
      %dma_wait3A_271 = arith.constant 0 : i32
      %dma_wait3A_272 = tpu.memref_slice %arg3[%dma_wait3A_270, %dma_wait3A_271] : memref<1000000x32xf32, #tpu.memory_space<hbm>> -> memref<1000000x32xf32, #tpu.memory_space<hbm>>
      tpu.wait_indirect_dma semaphore(%arg12 : memref<!tpu.dma_semaphore, #tpu.memory_space<semaphore_mem>>) src(%dma_wait3A_272 : memref<1000000x32xf32, #tpu.memory_space<hbm>>) dst(%arg8 : memref<128x32xf32, #tpu.memory_space<vmem>>)
      %iota3A_273 = tpu.iota {dimensions = array<i32: 0>} : vector<16xi32>
      %add3A_274 = arith.constant 16 : i32
      %add3A_275 = vector.broadcast %add3A_274 : i32 to vector<16xi32>
      %add3A_276 = arith.addi %iota3A_273, %add3A_275 : vector<16xi32>
      %parallel_loop3A_277 = arith.constant 0 : i32
      %parallel_loop3A_278 = arith.constant 128 : i32
      %parallel_loop3A_279 = arith.constant 1 : i32
      scf.for %parallel_loop3A_476 = %parallel_loop3A_277 to %parallel_loop3A_278 step %parallel_loop3A_279  : i32 {
        %parallel_loop3A_477 = arith.index_cast %parallel_loop3A_476 : i32 to index
        %parallel_loop3A_478 = arith.constant 0 : index
        %parallel_loop3A_479 = tpu.vector_load %arg8[%parallel_loop3A_477, %parallel_loop3A_478] {strides = array<i32>} : memref<128x32xf32, #tpu.memory_space<vmem>>, vector<16xf32>,
        %parallel_loop3A_480 = arith.index_cast %parallel_loop3A_476 : i32 to index
        %parallel_loop3A_481 = arith.constant 16 : index
        %parallel_loop3A_482 = tpu.vector_load %arg8[%parallel_loop3A_480, %parallel_loop3A_481] {strides = array<i32>} : memref<128x32xf32, #tpu.memory_space<vmem>>, vector<16xf32>,
        %parallel_loop3A_483 = vector.broadcast %parallel_loop3A_476 : i32 to vector<16xi32>
        tpu.vector_store_idx %arg10[%iota3A_273, %parallel_loop3A_483], %parallel_loop3A_479 : memref<32x129xf32, #tpu.memory_space<vmem>>[vector<16xi32>, vector<16xi32>], vector<16xf32>,
        tpu.vector_store_idx %arg10[%add3A_276, %parallel_loop3A_483], %parallel_loop3A_482 : memref<32x129xf32, #tpu.memory_space<vmem>>[vector<16xi32>, vector<16xi32>], vector<16xf32>,
      } {sc.loop_unroll_factor = 8 : i64, sc.parallel_access}
      %mul3A_280 = arith.constant 4 : i32
      %mul3A_281 = arith.muli %select_n3A_253, %mul3A_280 : i32
      %add3A_282 = arith.constant 0 : i32
      %add3A_283 = arith.addi %mul3A_281, %add3A_282 : i32
      %mul3A_284 = arith.constant 128 : i32
      %mul3A_285 = arith.muli %add3A_283, %mul3A_284 : i32
      %add3A_286 = arith.addi %mul3A_285, %select_n3A_269 : i32
      %dma_start3A_287 = arith.constant 0 : i32
      %dma_start3A_288 = arith.constant 0 : i32
      %dma_start3A_289 = tpu.memref_slice %arg10[%dma_start3A_287, %dma_start3A_288] : memref<32x129xf32, #tpu.memory_space<vmem>> -> memref<8x128xf32, #tpu.memory_space<vmem>>
      %dma_start3A_290 = arith.constant 0 : i32
      %dma_start3A_291 = arith.constant 0 : i32
      %dma_start3A_292 = tpu.memref_slice %arg4[%add3A_286, %dma_start3A_290, %dma_start3A_291] : memref<13312x8x128xf32, #tpu.memory_space<hbm>> -> memref<1x8x128xf32, #tpu.memory_space<hbm>>
      %dma_start3A_293 = tpu.memref_squeeze %dma_start3A_292 : memref<1x8x128xf32, #tpu.memory_space<hbm>> -> memref<8x128xf32, #tpu.memory_space<hbm>>
      %dma_start3A_294 = arith.constant 0 : i32
      %dma_start3A_295 = arith.constant 0 : i32
      %dma_start3A_296 = tpu.memref_slice %arg4[%add3A_286, %dma_start3A_294, %dma_start3A_295] : memref<13312x8x128xf32, #tpu.memory_space<hbm>> -> memref<1x8x128xf32, #tpu.memory_space<hbm>>
      %dma_start3A_297 = tpu.memref_squeeze %dma_start3A_296 : memref<1x8x128xf32, #tpu.memory_space<hbm>> -> memref<8x128xf32, #tpu.memory_space<hbm>>
      %dma_start3A_298 = arith.constant 0 : i32
      %dma_start3A_299 = arith.constant 0 : i32
      %dma_start3A_300 = tpu.memref_slice %arg10[%dma_start3A_298, %dma_start3A_299] : memref<32x129xf32, #tpu.memory_space<vmem>> -> memref<8x128xf32, #tpu.memory_space<vmem>>
      tpu.enqueue_dma source(%dma_start3A_300 : memref<8x128xf32, #tpu.memory_space<vmem>>) target(%dma_start3A_297 : memref<8x128xf32, #tpu.memory_space<hbm>>) target_semaphore(%arg14 : memref<!tpu.dma_semaphore, #tpu.memory_space<semaphore_mem>>)
      %mul3A_301 = arith.constant 4 : i32
      %mul3A_302 = arith.muli %select_n3A_253, %mul3A_301 : i32
      %add3A_303 = arith.constant 1 : i32
      %add3A_304 = arith.addi %mul3A_302, %add3A_303 : i32
      %mul3A_305 = arith.constant 128 : i32
      %mul3A_306 = arith.muli %add3A_304, %mul3A_305 : i32
      %add3A_307 = arith.addi %mul3A_306, %select_n3A_269 : i32
      %dma_start3A_308 = arith.constant 8 : i32
      %dma_start3A_309 = arith.constant 0 : i32
      %dma_start3A_310 = tpu.memref_slice %arg10[%dma_start3A_308, %dma_start3A_309] : memref<32x129xf32, #tpu.memory_space<vmem>> -> memref<8x128xf32, #tpu.memory_space<vmem>>
      %dma_start3A_311 = arith.constant 0 : i32
      %dma_start3A_312 = arith.constant 0 : i32
      %dma_start3A_313 = tpu.memref_slice %arg4[%add3A_307, %dma_start3A_311, %dma_start3A_312] : memref<13312x8x128xf32, #tpu.memory_space<hbm>> -> memref<1x8x128xf32, #tpu.memory_space<hbm>>
      %dma_start3A_314 = tpu.memref_squeeze %dma_start3A_313 : memref<1x8x128xf32, #tpu.memory_space<hbm>> -> memref<8x128xf32, #tpu.memory_space<hbm>>
      %dma_start3A_315 = arith.constant 0 : i32
      %dma_start3A_316 = arith.constant 0 : i32
      %dma_start3A_317 = tpu.memref_slice %arg4[%add3A_307, %dma_start3A_315, %dma_start3A_316] : memref<13312x8x128xf32, #tpu.memory_space<hbm>> -> memref<1x8x128xf32, #tpu.memory_space<hbm>>
      %dma_start3A_318 = tpu.memref_squeeze %dma_start3A_317 : memref<1x8x128xf32, #tpu.memory_space<hbm>> -> memref<8x128xf32, #tpu.memory_space<hbm>>
      %dma_start3A_319 = arith.constant 8 : i32
      %dma_start3A_320 = arith.constant 0 : i32
      %dma_start3A_321 = tpu.memref_slice %arg10[%dma_start3A_319, %dma_start3A_320] : memref<32x129xf32, #tpu.memory_space<vmem>> -> memref<8x128xf32, #tpu.memory_space<vmem>>
      tpu.enqueue_dma source(%dma_start3A_321 : memref<8x128xf32, #tpu.memory_space<vmem>>) target(%dma_start3A_318 : memref<8x128xf32, #tpu.memory_space<hbm>>) target_semaphore(%arg14 : memref<!tpu.dma_semaphore, #tpu.memory_space<semaphore_mem>>)
      %mul3A_322 = arith.constant 4 : i32
      %mul3A_323 = arith.muli %select_n3A_253, %mul3A_322 : i32
      %add3A_324 = arith.constant 2 : i32
      %add3A_325 = arith.addi %mul3A_323, %add3A_324 : i32
      %mul3A_326 = arith.constant 128 : i32
      %mul3A_327 = arith.muli %add3A_325, %mul3A_326 : i32
      %add3A_328 = arith.addi %mul3A_327, %select_n3A_269 : i32
      %dma_start3A_329 = arith.constant 16 : i32
      %dma_start3A_330 = arith.constant 0 : i32
      %dma_start3A_331 = tpu.memref_slice %arg10[%dma_start3A_329, %dma_start3A_330] : memref<32x129xf32, #tpu.memory_space<vmem>> -> memref<8x128xf32, #tpu.memory_space<vmem>>
      %dma_start3A_332 = arith.constant 0 : i32
      %dma_start3A_333 = arith.constant 0 : i32
      %dma_start3A_334 = tpu.memref_slice %arg4[%add3A_328, %dma_start3A_332, %dma_start3A_333] : memref<13312x8x128xf32, #tpu.memory_space<hbm>> -> memref<1x8x128xf32, #tpu.memory_space<hbm>>
      %dma_start3A_335 = tpu.memref_squeeze %dma_start3A_334 : memref<1x8x128xf32, #tpu.memory_space<hbm>> -> memref<8x128xf32, #tpu.memory_space<hbm>>
      %dma_start3A_336 = arith.constant 0 : i32
      %dma_start3A_337 = arith.constant 0 : i32
      %dma_start3A_338 = tpu.memref_slice %arg4[%add3A_328, %dma_start3A_336, %dma_start3A_337] : memref<13312x8x128xf32, #tpu.memory_space<hbm>> -> memref<1x8x128xf32, #tpu.memory_space<hbm>>
      %dma_start3A_339 = tpu.memref_squeeze %dma_start3A_338 : memref<1x8x128xf32, #tpu.memory_space<hbm>> -> memref<8x128xf32, #tpu.memory_space<hbm>>
      %dma_start3A_340 = arith.constant 16 : i32
      %dma_start3A_341 = arith.constant 0 : i32
      %dma_start3A_342 = tpu.memref_slice %arg10[%dma_start3A_340, %dma_start3A_341] : memref<32x129xf32, #tpu.memory_space<vmem>> -> memref<8x128xf32, #tpu.memory_space<vmem>>
      tpu.enqueue_dma source(%dma_start3A_342 : memref<8x128xf32, #tpu.memory_space<vmem>>) target(%dma_start3A_339 : memref<8x128xf32, #tpu.memory_space<hbm>>) target_semaphore(%arg14 : memref<!tpu.dma_semaphore, #tpu.memory_space<semaphore_mem>>)
      %mul3A_343 = arith.constant 4 : i32
      %mul3A_344 = arith.muli %select_n3A_253, %mul3A_343 : i32
      %add3A_345 = arith.constant 3 : i32
      %add3A_346 = arith.addi %mul3A_344, %add3A_345 : i32
      %mul3A_347 = arith.constant 128 : i32
      %mul3A_348 = arith.muli %add3A_346, %mul3A_347 : i32
      %add3A_349 = arith.addi %mul3A_348, %select_n3A_269 : i32
      %dma_start3A_350 = arith.constant 24 : i32
      %dma_start3A_351 = arith.constant 0 : i32
      %dma_start3A_352 = tpu.memref_slice %arg10[%dma_start3A_350, %dma_start3A_351] : memref<32x129xf32, #tpu.memory_space<vmem>> -> memref<8x128xf32, #tpu.memory_space<vmem>>
      %dma_start3A_353 = arith.constant 0 : i32
      %dma_start3A_354 = arith.constant 0 : i32
      %dma_start3A_355 = tpu.memref_slice %arg4[%add3A_349, %dma_start3A_353, %dma_start3A_354] : memref<13312x8x128xf32, #tpu.memory_space<hbm>> -> memref<1x8x128xf32, #tpu.memory_space<hbm>>
      %dma_start3A_356 = tpu.memref_squeeze %dma_start3A_355 : memref<1x8x128xf32, #tpu.memory_space<hbm>> -> memref<8x128xf32, #tpu.memory_space<hbm>>
      %dma_start3A_357 = arith.constant 0 : i32
      %dma_start3A_358 = arith.constant 0 : i32
      %dma_start3A_359 = tpu.memref_slice %arg4[%add3A_349, %dma_start3A_357, %dma_start3A_358] : memref<13312x8x128xf32, #tpu.memory_space<hbm>> -> memref<1x8x128xf32, #tpu.memory_space<hbm>>
      %dma_start3A_360 = tpu.memref_squeeze %dma_start3A_359 : memref<1x8x128xf32, #tpu.memory_space<hbm>> -> memref<8x128xf32, #tpu.memory_space<hbm>>
      %dma_start3A_361 = arith.constant 24 : i32
      %dma_start3A_362 = arith.constant 0 : i32
      %dma_start3A_363 = tpu.memref_slice %arg10[%dma_start3A_361, %dma_start3A_362] : memref<32x129xf32, #tpu.memory_space<vmem>> -> memref<8x128xf32, #tpu.memory_space<vmem>>
      tpu.enqueue_dma source(%dma_start3A_363 : memref<8x128xf32, #tpu.memory_space<vmem>>) target(%dma_start3A_360 : memref<8x128xf32, #tpu.memory_space<hbm>>) target_semaphore(%arg14 : memref<!tpu.dma_semaphore, #tpu.memory_space<semaphore_mem>>)
      %dma_wait3A_364 = arith.constant 0 : i32
      %dma_wait3A_365 = arith.constant 0 : i32
      %dma_wait3A_366 = tpu.memref_slice %arg9[%dma_wait3A_364, %dma_wait3A_365] : memref<32x129xf32, #tpu.memory_space<vmem>> -> memref<8x128xf32, #tpu.memory_space<vmem>>
      %dma_wait3A_367 = arith.constant 0 : i32
      %dma_wait3A_368 = arith.constant 0 : i32
      %dma_wait3A_369 = tpu.memref_slice %arg4[%add3A_150, %dma_wait3A_367, %dma_wait3A_368] : memref<13312x8x128xf32, #tpu.memory_space<hbm>> -> memref<1x8x128xf32, #tpu.memory_space<hbm>>
      %dma_wait3A_370 = tpu.memref_squeeze %dma_wait3A_369 : memref<1x8x128xf32, #tpu.memory_space<hbm>> -> memref<8x128xf32, #tpu.memory_space<hbm>>
      %dma_wait3A_371 = arith.constant 0 : i32
      %dma_wait3A_372 = arith.constant 0 : i32
      %dma_wait3A_373 = tpu.memref_slice %arg4[%add3A_150, %dma_wait3A_371, %dma_wait3A_372] : memref<13312x8x128xf32, #tpu.memory_space<hbm>> -> memref<1x8x128xf32, #tpu.memory_space<hbm>>
      %dma_wait3A_374 = tpu.memref_squeeze %dma_wait3A_373 : memref<1x8x128xf32, #tpu.memory_space<hbm>> -> memref<8x128xf32, #tpu.memory_space<hbm>>
      %dma_wait3A_375 = arith.constant 0 : i32
      %dma_wait3A_376 = arith.constant 0 : i32
      %dma_wait3A_377 = tpu.memref_slice %arg9[%dma_wait3A_375, %dma_wait3A_376] : memref<32x129xf32, #tpu.memory_space<vmem>> -> memref<8x128xf32, #tpu.memory_space<vmem>>
      tpu.wait_dma2 semaphore(%arg13 : memref<!tpu.dma_semaphore, #tpu.memory_space<semaphore_mem>>) src(%dma_wait3A_377 : memref<8x128xf32, #tpu.memory_space<vmem>>) dst(%dma_wait3A_374 : memref<8x128xf32, #tpu.memory_space<hbm>>)
      %dma_wait3A_378 = arith.constant 8 : i32
      %dma_wait3A_379 = arith.constant 0 : i32
      %dma_wait3A_380 = tpu.memref_slice %arg9[%dma_wait3A_378, %dma_wait3A_379] : memref<32x129xf32, #tpu.memory_space<vmem>> -> memref<8x128xf32, #tpu.memory_space<vmem>>
      %dma_wait3A_381 = arith.constant 0 : i32
      %dma_wait3A_382 = arith.constant 0 : i32
      %dma_wait3A_383 = tpu.memref_slice %arg4[%add3A_171, %dma_wait3A_381, %dma_wait3A_382] : memref<13312x8x128xf32, #tpu.memory_space<hbm>> -> memref<1x8x128xf32, #tpu.memory_space<hbm>>
      %dma_wait3A_384 = tpu.memref_squeeze %dma_wait3A_383 : memref<1x8x128xf32, #tpu.memory_space<hbm>> -> memref<8x128xf32, #tpu.memory_space<hbm>>
      %dma_wait3A_385 = arith.constant 0 : i32
      %dma_wait3A_386 = arith.constant 0 : i32
      %dma_wait3A_387 = tpu.memref_slice %arg4[%add3A_171, %dma_wait3A_385, %dma_wait3A_386] : memref<13312x8x128xf32, #tpu.memory_space<hbm>> -> memref<1x8x128xf32, #tpu.memory_space<hbm>>
      %dma_wait3A_388 = tpu.memref_squeeze %dma_wait3A_387 : memref<1x8x128xf32, #tpu.memory_space<hbm>> -> memref<8x128xf32, #tpu.memory_space<hbm>>
      %dma_wait3A_389 = arith.constant 8 : i32
      %dma_wait3A_390 = arith.constant 0 : i32
      %dma_wait3A_391 = tpu.memref_slice %arg9[%dma_wait3A_389, %dma_wait3A_390] : memref<32x129xf32, #tpu.memory_space<vmem>> -> memref<8x128xf32, #tpu.memory_space<vmem>>
      tpu.wait_dma2 semaphore(%arg13 : memref<!tpu.dma_semaphore, #tpu.memory_space<semaphore_mem>>) src(%dma_wait3A_391 : memref<8x128xf32, #tpu.memory_space<vmem>>) dst(%dma_wait3A_388 : memref<8x128xf32, #tpu.memory_space<hbm>>)
      %dma_wait3A_392 = arith.constant 16 : i32
      %dma_wait3A_393 = arith.constant 0 : i32
      %dma_wait3A_394 = tpu.memref_slice %arg9[%dma_wait3A_392, %dma_wait3A_393] : memref<32x129xf32, #tpu.memory_space<vmem>> -> memref<8x128xf32, #tpu.memory_space<vmem>>
      %dma_wait3A_395 = arith.constant 0 : i32
      %dma_wait3A_396 = arith.constant 0 : i32
      %dma_wait3A_397 = tpu.memref_slice %arg4[%add3A_192, %dma_wait3A_395, %dma_wait3A_396] : memref<13312x8x128xf32, #tpu.memory_space<hbm>> -> memref<1x8x128xf32, #tpu.memory_space<hbm>>
      %dma_wait3A_398 = tpu.memref_squeeze %dma_wait3A_397 : memref<1x8x128xf32, #tpu.memory_space<hbm>> -> memref<8x128xf32, #tpu.memory_space<hbm>>
      %dma_wait3A_399 = arith.constant 0 : i32
      %dma_wait3A_400 = arith.constant 0 : i32
      %dma_wait3A_401 = tpu.memref_slice %arg4[%add3A_192, %dma_wait3A_399, %dma_wait3A_400] : memref<13312x8x128xf32, #tpu.memory_space<hbm>> -> memref<1x8x128xf32, #tpu.memory_space<hbm>>
      %dma_wait3A_402 = tpu.memref_squeeze %dma_wait3A_401 : memref<1x8x128xf32, #tpu.memory_space<hbm>> -> memref<8x128xf32, #tpu.memory_space<hbm>>
      %dma_wait3A_403 = arith.constant 16 : i32
      %dma_wait3A_404 = arith.constant 0 : i32
      %dma_wait3A_405 = tpu.memref_slice %arg9[%dma_wait3A_403, %dma_wait3A_404] : memref<32x129xf32, #tpu.memory_space<vmem>> -> memref<8x128xf32, #tpu.memory_space<vmem>>
      tpu.wait_dma2 semaphore(%arg13 : memref<!tpu.dma_semaphore, #tpu.memory_space<semaphore_mem>>) src(%dma_wait3A_405 : memref<8x128xf32, #tpu.memory_space<vmem>>) dst(%dma_wait3A_402 : memref<8x128xf32, #tpu.memory_space<hbm>>)
      %dma_wait3A_406 = arith.constant 24 : i32
      %dma_wait3A_407 = arith.constant 0 : i32
      %dma_wait3A_408 = tpu.memref_slice %arg9[%dma_wait3A_406, %dma_wait3A_407] : memref<32x129xf32, #tpu.memory_space<vmem>> -> memref<8x128xf32, #tpu.memory_space<vmem>>
      %dma_wait3A_409 = arith.constant 0 : i32
      %dma_wait3A_410 = arith.constant 0 : i32
      %dma_wait3A_411 = tpu.memref_slice %arg4[%add3A_213, %dma_wait3A_409, %dma_wait3A_410] : memref<13312x8x128xf32, #tpu.memory_space<hbm>> -> memref<1x8x128xf32, #tpu.memory_space<hbm>>
      %dma_wait3A_412 = tpu.memref_squeeze %dma_wait3A_411 : memref<1x8x128xf32, #tpu.memory_space<hbm>> -> memref<8x128xf32, #tpu.memory_space<hbm>>
      %dma_wait3A_413 = arith.constant 0 : i32
      %dma_wait3A_414 = arith.constant 0 : i32
      %dma_wait3A_415 = tpu.memref_slice %arg4[%add3A_213, %dma_wait3A_413, %dma_wait3A_414] : memref<13312x8x128xf32, #tpu.memory_space<hbm>> -> memref<1x8x128xf32, #tpu.memory_space<hbm>>
      %dma_wait3A_416 = tpu.memref_squeeze %dma_wait3A_415 : memref<1x8x128xf32, #tpu.memory_space<hbm>> -> memref<8x128xf32, #tpu.memory_space<hbm>>
      %dma_wait3A_417 = arith.constant 24 : i32
      %dma_wait3A_418 = arith.constant 0 : i32
      %dma_wait3A_419 = tpu.memref_slice %arg9[%dma_wait3A_417, %dma_wait3A_418] : memref<32x129xf32, #tpu.memory_space<vmem>> -> memref<8x128xf32, #tpu.memory_space<vmem>>
      tpu.wait_dma2 semaphore(%arg13 : memref<!tpu.dma_semaphore, #tpu.memory_space<semaphore_mem>>) src(%dma_wait3A_419 : memref<8x128xf32, #tpu.memory_space<vmem>>) dst(%dma_wait3A_416 : memref<8x128xf32, #tpu.memory_space<hbm>>)
      %dma_wait3A_420 = arith.constant 0 : i32
      %dma_wait3A_421 = arith.constant 0 : i32
      %dma_wait3A_422 = tpu.memref_slice %arg10[%dma_wait3A_420, %dma_wait3A_421] : memref<32x129xf32, #tpu.memory_space<vmem>> -> memref<8x128xf32, #tpu.memory_space<vmem>>
      %dma_wait3A_423 = arith.constant 0 : i32
      %dma_wait3A_424 = arith.constant 0 : i32
      %dma_wait3A_425 = tpu.memref_slice %arg4[%add3A_286, %dma_wait3A_423, %dma_wait3A_424] : memref<13312x8x128xf32, #tpu.memory_space<hbm>> -> memref<1x8x128xf32, #tpu.memory_space<hbm>>
      %dma_wait3A_426 = tpu.memref_squeeze %dma_wait3A_425 : memref<1x8x128xf32, #tpu.memory_space<hbm>> -> memref<8x128xf32, #tpu.memory_space<hbm>>
      %dma_wait3A_427 = arith.constant 0 : i32
      %dma_wait3A_428 = arith.constant 0 : i32
      %dma_wait3A_429 = tpu.memref_slice %arg4[%add3A_286, %dma_wait3A_427, %dma_wait3A_428] : memref<13312x8x128xf32, #tpu.memory_space<hbm>> -> memref<1x8x128xf32, #tpu.memory_space<hbm>>
      %dma_wait3A_430 = tpu.memref_squeeze %dma_wait3A_429 : memref<1x8x128xf32, #tpu.memory_space<hbm>> -> memref<8x128xf32, #tpu.memory_space<hbm>>
      %dma_wait3A_431 = arith.constant 0 : i32
      %dma_wait3A_432 = arith.constant 0 : i32
      %dma_wait3A_433 = tpu.memref_slice %arg10[%dma_wait3A_431, %dma_wait3A_432] : memref<32x129xf32, #tpu.memory_space<vmem>> -> memref<8x128xf32, #tpu.memory_space<vmem>>
      tpu.wait_dma2 semaphore(%arg14 : memref<!tpu.dma_semaphore, #tpu.memory_space<semaphore_mem>>) src(%dma_wait3A_433 : memref<8x128xf32, #tpu.memory_space<vmem>>) dst(%dma_wait3A_430 : memref<8x128xf32, #tpu.memory_space<hbm>>)
      %dma_wait3A_434 = arith.constant 8 : i32
      %dma_wait3A_435 = arith.constant 0 : i32
      %dma_wait3A_436 = tpu.memref_slice %arg10[%dma_wait3A_434, %dma_wait3A_435] : memref<32x129xf32, #tpu.memory_space<vmem>> -> memref<8x128xf32, #tpu.memory_space<vmem>>
      %dma_wait3A_437 = arith.constant 0 : i32
      %dma_wait3A_438 = arith.constant 0 : i32
      %dma_wait3A_439 = tpu.memref_slice %arg4[%add3A_307, %dma_wait3A_437, %dma_wait3A_438] : memref<13312x8x128xf32, #tpu.memory_space<hbm>> -> memref<1x8x128xf32, #tpu.memory_space<hbm>>
      %dma_wait3A_440 = tpu.memref_squeeze %dma_wait3A_439 : memref<1x8x128xf32, #tpu.memory_space<hbm>> -> memref<8x128xf32, #tpu.memory_space<hbm>>
      %dma_wait3A_441 = arith.constant 0 : i32
      %dma_wait3A_442 = arith.constant 0 : i32
      %dma_wait3A_443 = tpu.memref_slice %arg4[%add3A_307, %dma_wait3A_441, %dma_wait3A_442] : memref<13312x8x128xf32, #tpu.memory_space<hbm>> -> memref<1x8x128xf32, #tpu.memory_space<hbm>>
      %dma_wait3A_444 = tpu.memref_squeeze %dma_wait3A_443 : memref<1x8x128xf32, #tpu.memory_space<hbm>> -> memref<8x128xf32, #tpu.memory_space<hbm>>
      %dma_wait3A_445 = arith.constant 8 : i32
      %dma_wait3A_446 = arith.constant 0 : i32
      %dma_wait3A_447 = tpu.memref_slice %arg10[%dma_wait3A_445, %dma_wait3A_446] : memref<32x129xf32, #tpu.memory_space<vmem>> -> memref<8x128xf32, #tpu.memory_space<vmem>>
      tpu.wait_dma2 semaphore(%arg14 : memref<!tpu.dma_semaphore, #tpu.memory_space<semaphore_mem>>) src(%dma_wait3A_447 : memref<8x128xf32, #tpu.memory_space<vmem>>) dst(%dma_wait3A_444 : memref<8x128xf32, #tpu.memory_space<hbm>>)
      %dma_wait3A_448 = arith.constant 16 : i32
      %dma_wait3A_449 = arith.constant 0 : i32
      %dma_wait3A_450 = tpu.memref_slice %arg10[%dma_wait3A_448, %dma_wait3A_449] : memref<32x129xf32, #tpu.memory_space<vmem>> -> memref<8x128xf32, #tpu.memory_space<vmem>>
      %dma_wait3A_451 = arith.constant 0 : i32
      %dma_wait3A_452 = arith.constant 0 : i32
      %dma_wait3A_453 = tpu.memref_slice %arg4[%add3A_328, %dma_wait3A_451, %dma_wait3A_452] : memref<13312x8x128xf32, #tpu.memory_space<hbm>> -> memref<1x8x128xf32, #tpu.memory_space<hbm>>
      %dma_wait3A_454 = tpu.memref_squeeze %dma_wait3A_453 : memref<1x8x128xf32, #tpu.memory_space<hbm>> -> memref<8x128xf32, #tpu.memory_space<hbm>>
      %dma_wait3A_455 = arith.constant 0 : i32
      %dma_wait3A_456 = arith.constant 0 : i32
      %dma_wait3A_457 = tpu.memref_slice %arg4[%add3A_328, %dma_wait3A_455, %dma_wait3A_456] : memref<13312x8x128xf32, #tpu.memory_space<hbm>> -> memref<1x8x128xf32, #tpu.memory_space<hbm>>
      %dma_wait3A_458 = tpu.memref_squeeze %dma_wait3A_457 : memref<1x8x128xf32, #tpu.memory_space<hbm>> -> memref<8x128xf32, #tpu.memory_space<hbm>>
      %dma_wait3A_459 = arith.constant 16 : i32
      %dma_wait3A_460 = arith.constant 0 : i32
      %dma_wait3A_461 = tpu.memref_slice %arg10[%dma_wait3A_459, %dma_wait3A_460] : memref<32x129xf32, #tpu.memory_space<vmem>> -> memref<8x128xf32, #tpu.memory_space<vmem>>
      tpu.wait_dma2 semaphore(%arg14 : memref<!tpu.dma_semaphore, #tpu.memory_space<semaphore_mem>>) src(%dma_wait3A_461 : memref<8x128xf32, #tpu.memory_space<vmem>>) dst(%dma_wait3A_458 : memref<8x128xf32, #tpu.memory_space<hbm>>)
      %dma_wait3A_462 = arith.constant 24 : i32
      %dma_wait3A_463 = arith.constant 0 : i32
      %dma_wait3A_464 = tpu.memref_slice %arg10[%dma_wait3A_462, %dma_wait3A_463] : memref<32x129xf32, #tpu.memory_space<vmem>> -> memref<8x128xf32, #tpu.memory_space<vmem>>
      %dma_wait3A_465 = arith.constant 0 : i32
      %dma_wait3A_466 = arith.constant 0 : i32
      %dma_wait3A_467 = tpu.memref_slice %arg4[%add3A_349, %dma_wait3A_465, %dma_wait3A_466] : memref<13312x8x128xf32, #tpu.memory_space<hbm>> -> memref<1x8x128xf32, #tpu.memory_space<hbm>>
      %dma_wait3A_468 = tpu.memref_squeeze %dma_wait3A_467 : memref<1x8x128xf32, #tpu.memory_space<hbm>> -> memref<8x128xf32, #tpu.memory_space<hbm>>
      %dma_wait3A_469 = arith.constant 0 : i32
      %dma_wait3A_470 = arith.constant 0 : i32
      %dma_wait3A_471 = tpu.memref_slice %arg4[%add3A_349, %dma_wait3A_469, %dma_wait3A_470] : memref<13312x8x128xf32, #tpu.memory_space<hbm>> -> memref<1x8x128xf32, #tpu.memory_space<hbm>>
      %dma_wait3A_472 = tpu.memref_squeeze %dma_wait3A_471 : memref<1x8x128xf32, #tpu.memory_space<hbm>> -> memref<8x128xf32, #tpu.memory_space<hbm>>
      %dma_wait3A_473 = arith.constant 24 : i32
      %dma_wait3A_474 = arith.constant 0 : i32
      %dma_wait3A_475 = tpu.memref_slice %arg10[%dma_wait3A_473, %dma_wait3A_474] : memref<32x129xf32, #tpu.memory_space<vmem>> -> memref<8x128xf32, #tpu.memory_space<vmem>>
      tpu.wait_dma2 semaphore(%arg14 : memref<!tpu.dma_semaphore, #tpu.memory_space<semaphore_mem>>) src(%dma_wait3A_475 : memref<8x128xf32, #tpu.memory_space<vmem>>) dst(%dma_wait3A_472 : memref<8x128xf32, #tpu.memory_space<hbm>>)
    }
    %scan3A_7 = arith.constant 52 : i32
    return
  }
}

#map = affine_map<(d0, d1) -> (0, 0)>
#map1 = affine_map<(d0, d1) -> (0)>
module attributes {stable_mosaic.version = 14 : i64} {
  func.func @_detile(%arg0: i32, %arg1: i32, %arg2: memref<32x1000000xf32, #tpu.memory_space<hbm>>, %arg3: memref<32000000xf32, #tpu.memory_space<hbm>>, %arg4: memref<32x512xf32, #tpu.memory_space<vmem>>, %arg5: memref<32x512xf32, #tpu.memory_space<vmem>>, %arg6: memref<16896xf32, #tpu.memory_space<vmem>>, %arg7: memref<16384xf32, #tpu.memory_space<vmem>>, %arg8: memref<16384xf32, #tpu.memory_space<vmem>>, %arg9: memref<!tpu.dma_semaphore, #tpu.memory_space<semaphore_mem>>, %arg10: memref<!tpu.dma_semaphore, #tpu.memory_space<semaphore_mem>>, %arg11: memref<!tpu.dma_semaphore, #tpu.memory_space<semaphore_mem>>, %arg12: memref<!tpu.dma_semaphore, #tpu.memory_space<semaphore_mem>>) attributes {dimension_semantics = [#tpu.dimension_semantics<core_parallel>, #tpu.dimension_semantics<subcore_parallel>], iteration_bounds = array<i64: 2, 16>, scalar_prefetch = 0 : i64, scratch_operands = 9 : i64, tpu.core_type = #tpu.core_type<sc_vector_subcore>, window_params = [{transform_indices = #map}, {transform_indices = #map1}]} {
    %mul3A = arith.constant 2 : i32
    %mul3A_0 = arith.muli %arg1, %mul3A : i32
    %add3A = arith.addi %mul3A_0, %arg0 : i32
    %mul3A_1 = arith.constant 61 : i32
    %mul3A_2 = arith.muli %add3A, %mul3A_1 : i32
    %min3A = arith.constant 1 : i32
    %min3A_3 = arith.minsi %add3A, %min3A : i32
    %add3A_4 = arith.addi %mul3A_2, %min3A_3 : i32
    %iota3A = tpu.iota {dimensions = array<i32: 0>} : vector<16xi32>
    %mul3A_5 = arith.constant 33 : i32
    %mul3A_6 = vector.broadcast %mul3A_5 : i32 to vector<16xi32>
    %mul3A_7 = arith.muli %iota3A, %mul3A_6 : vector<16xi32>
    %scan3A = arith.constant 0 : i32
    %scan3A_8 = arith.constant 0 : i32
    %scan3A_9 = arith.constant 31 : i32
    %scan3A_10 = arith.addi %scan3A_8, %scan3A_9 : i32
    %scan3A_11 = arith.constant 1 : i32
    scf.for %scan3A_56 = %scan3A_8 to %scan3A_10 step %scan3A_11  : i32 {
      %mul3A_57 = arith.constant 2 : i32
      %mul3A_58 = arith.muli %mul3A_57, %scan3A_56 : i32
      %add3A_59 = arith.addi %add3A_4, %mul3A_58 : i32
      %add3A_60 = arith.constant 0 : i32
      %add3A_61 = arith.addi %add3A_59, %add3A_60 : i32
      %min3A_62 = arith.constant 1952 : i32
      %min3A_63 = arith.minsi %add3A_61, %min3A_62 : i32
      %mul3A_64 = arith.constant 512 : i32
      %mul3A_65 = arith.muli %min3A_63, %mul3A_64 : i32
      %dma_start3A_66 = arith.constant 0 : i32
      %dma_start3A_67 = tpu.memref_slice %arg2[%dma_start3A_66, %mul3A_65] : memref<32x1000000xf32, #tpu.memory_space<hbm>> -> memref<32x512xf32, #tpu.memory_space<hbm>>
      %dma_start3A_68 = arith.constant 0 : i32
      %dma_start3A_69 = tpu.memref_slice %arg2[%dma_start3A_68, %mul3A_65] : memref<32x1000000xf32, #tpu.memory_space<hbm>> -> memref<32x512xf32, #tpu.memory_space<hbm>>
      tpu.enqueue_dma source(%dma_start3A_69 : memref<32x512xf32, #tpu.memory_space<hbm>>) target(%arg4 : memref<32x512xf32, #tpu.memory_space<vmem>>) target_semaphore(%arg9 : memref<!tpu.dma_semaphore, #tpu.memory_space<semaphore_mem>>)
      %add3A_70 = arith.addi %add3A_4, %mul3A_58 : i32
      %add3A_71 = arith.constant 1 : i32
      %add3A_72 = arith.addi %add3A_70, %add3A_71 : i32
      %min3A_73 = arith.constant 1952 : i32
      %min3A_74 = arith.minsi %add3A_72, %min3A_73 : i32
      %mul3A_75 = arith.constant 512 : i32
      %mul3A_76 = arith.muli %min3A_74, %mul3A_75 : i32
      %dma_start3A_77 = arith.constant 0 : i32
      %dma_start3A_78 = tpu.memref_slice %arg2[%dma_start3A_77, %mul3A_76] : memref<32x1000000xf32, #tpu.memory_space<hbm>> -> memref<32x512xf32, #tpu.memory_space<hbm>>
      %dma_start3A_79 = arith.constant 0 : i32
      %dma_start3A_80 = tpu.memref_slice %arg2[%dma_start3A_79, %mul3A_76] : memref<32x1000000xf32, #tpu.memory_space<hbm>> -> memref<32x512xf32, #tpu.memory_space<hbm>>
      tpu.enqueue_dma source(%dma_start3A_80 : memref<32x512xf32, #tpu.memory_space<hbm>>) target(%arg5 : memref<32x512xf32, #tpu.memory_space<vmem>>) target_semaphore(%arg10 : memref<!tpu.dma_semaphore, #tpu.memory_space<semaphore_mem>>)
      %add3A_81 = arith.addi %add3A_4, %mul3A_58 : i32
      %add3A_82 = arith.constant 0 : i32
      %add3A_83 = arith.addi %add3A_81, %add3A_82 : i32
      %min3A_84 = arith.constant 1952 : i32
      %min3A_85 = arith.minsi %add3A_83, %min3A_84 : i32
      %mul3A_86 = arith.constant 512 : i32
      %mul3A_87 = arith.muli %min3A_85, %mul3A_86 : i32
      %dma_wait3A_88 = arith.constant 0 : i32
      %dma_wait3A_89 = tpu.memref_slice %arg2[%dma_wait3A_88, %mul3A_65] : memref<32x1000000xf32, #tpu.memory_space<hbm>> -> memref<32x512xf32, #tpu.memory_space<hbm>>
      %dma_wait3A_90 = arith.constant 0 : i32
      %dma_wait3A_91 = tpu.memref_slice %arg2[%dma_wait3A_90, %mul3A_65] : memref<32x1000000xf32, #tpu.memory_space<hbm>> -> memref<32x512xf32, #tpu.memory_space<hbm>>
      tpu.wait_dma2 semaphore(%arg9 : memref<!tpu.dma_semaphore, #tpu.memory_space<semaphore_mem>>) src(%dma_wait3A_91 : memref<32x512xf32, #tpu.memory_space<hbm>>) dst(%arg4 : memref<32x512xf32, #tpu.memory_space<vmem>>)
      %parallel_loop3A_92 = arith.constant 0 : i32
      %parallel_loop3A_93 = arith.constant 1024 : i32
      %parallel_loop3A_94 = arith.constant 1 : i32
      scf.for %parallel_loop3A_127 = %parallel_loop3A_92 to %parallel_loop3A_93 step %parallel_loop3A_94  : i32 {
        %parallel_loop3A_128 = arith.constant 32 : i32
        %parallel_loop3A_129 = arith.constant 0 : i32
        %parallel_loop3A_130 = arith.cmpi eq, %parallel_loop3A_128, %parallel_loop3A_129 : i32
        %parallel_loop3A_131 = arith.constant 1 : i32
        %parallel_loop3A_132 = arith.select %parallel_loop3A_130, %parallel_loop3A_131, %parallel_loop3A_128 : i32
        %parallel_loop3A_133 = arith.remsi %parallel_loop3A_127, %parallel_loop3A_132 : i32
        %parallel_loop3A_134 = arith.constant 0 : i32
        %parallel_loop3A_135 = arith.cmpi ne, %parallel_loop3A_133, %parallel_loop3A_134 : i32
        %parallel_loop3A_136 = arith.constant 0 : i32
        %parallel_loop3A_137 = arith.cmpi slt, %parallel_loop3A_133, %parallel_loop3A_136 : i32
        %parallel_loop3A_138 = arith.constant 0 : i32
        %parallel_loop3A_139 = arith.cmpi slt, %parallel_loop3A_132, %parallel_loop3A_138 : i32
        %parallel_loop3A_140 = arith.xori %parallel_loop3A_137, %parallel_loop3A_139 : i1
        %parallel_loop3A_141 = arith.andi %parallel_loop3A_140, %parallel_loop3A_135 : i1
        %parallel_loop3A_142 = arith.addi %parallel_loop3A_133, %parallel_loop3A_132 : i32
        %parallel_loop3A_143 = arith.select %parallel_loop3A_141, %parallel_loop3A_142, %parallel_loop3A_133 : i32
        %parallel_loop3A_144 = arith.constant 32 : i32
        %parallel_loop3A_145 = arith.divsi %parallel_loop3A_127, %parallel_loop3A_144 : i32
        %parallel_loop3A_146 = arith.constant 0 : i32
        %parallel_loop3A_147 = arith.cmpi sgt, %parallel_loop3A_127, %parallel_loop3A_146 : i32
        %parallel_loop3A_148 = arith.extui %parallel_loop3A_147 : i1 to i32
        %parallel_loop3A_149 = arith.constant 0 : i32
        %parallel_loop3A_150 = arith.cmpi slt, %parallel_loop3A_127, %parallel_loop3A_149 : i32
        %parallel_loop3A_151 = arith.extui %parallel_loop3A_150 : i1 to i32
        %parallel_loop3A_152 = arith.subi %parallel_loop3A_148, %parallel_loop3A_151 : i32
        %parallel_loop3A_153 = arith.constant 0 : i32
        %parallel_loop3A_154 = arith.cmpi sgt, %parallel_loop3A_144, %parallel_loop3A_153 : i32
        %parallel_loop3A_155 = arith.extui %parallel_loop3A_154 : i1 to i32
        %parallel_loop3A_156 = arith.constant 0 : i32
        %parallel_loop3A_157 = arith.cmpi slt, %parallel_loop3A_144, %parallel_loop3A_156 : i32
        %parallel_loop3A_158 = arith.extui %parallel_loop3A_157 : i1 to i32
        %parallel_loop3A_159 = arith.subi %parallel_loop3A_155, %parallel_loop3A_158 : i32
        %parallel_loop3A_160 = arith.cmpi ne, %parallel_loop3A_152, %parallel_loop3A_159 : i32
        %parallel_loop3A_161 = arith.remsi %parallel_loop3A_127, %parallel_loop3A_144 : i32
        %parallel_loop3A_162 = arith.constant 0 : i32
        %parallel_loop3A_163 = arith.cmpi ne, %parallel_loop3A_161, %parallel_loop3A_162 : i32
        %parallel_loop3A_164 = arith.andi %parallel_loop3A_160, %parallel_loop3A_163 : i1
        %parallel_loop3A_165 = arith.constant 1 : i32
        %parallel_loop3A_166 = arith.subi %parallel_loop3A_145, %parallel_loop3A_165 : i32
        %parallel_loop3A_167 = arith.select %parallel_loop3A_164, %parallel_loop3A_166, %parallel_loop3A_145 : i32
        %parallel_loop3A_168 = arith.constant 16 : i32
        %parallel_loop3A_169 = arith.muli %parallel_loop3A_167, %parallel_loop3A_168 : i32
        %parallel_loop3A_170 = arith.index_cast %parallel_loop3A_143 : i32 to index
        %parallel_loop3A_171 = arith.index_cast %parallel_loop3A_169 : i32 to index
        %parallel_loop3A_172 = tpu.vector_load %arg4[%parallel_loop3A_170, %parallel_loop3A_171] {strides = array<i32>} : memref<32x512xf32, #tpu.memory_space<vmem>>, vector<16xf32>,
        %parallel_loop3A_173 = arith.constant 528 : i32
        %parallel_loop3A_174 = arith.muli %parallel_loop3A_167, %parallel_loop3A_173 : i32
        %parallel_loop3A_175 = arith.addi %parallel_loop3A_174, %parallel_loop3A_143 : i32
        %parallel_loop3A_176 = vector.broadcast %parallel_loop3A_175 : i32 to vector<16xi32>
        %parallel_loop3A_177 = arith.addi %mul3A_7, %parallel_loop3A_176 : vector<16xi32>
        tpu.vector_store_idx %arg6[%parallel_loop3A_177], %parallel_loop3A_172 : memref<16896xf32, #tpu.memory_space<vmem>>[vector<16xi32>], vector<16xf32>,
      } {sc.loop_unroll_factor = 8 : i64, sc.parallel_access}
      %parallel_loop3A_95 = arith.constant 0 : i32
      %parallel_loop3A_96 = arith.constant 1024 : i32
      %parallel_loop3A_97 = arith.constant 1 : i32
      scf.for %parallel_loop3A_127 = %parallel_loop3A_95 to %parallel_loop3A_96 step %parallel_loop3A_97  : i32 {
        %parallel_loop3A_128 = arith.constant 2 : i32
        %parallel_loop3A_129 = arith.divsi %parallel_loop3A_127, %parallel_loop3A_128 : i32
        %parallel_loop3A_130 = arith.constant 0 : i32
        %parallel_loop3A_131 = arith.cmpi sgt, %parallel_loop3A_127, %parallel_loop3A_130 : i32
        %parallel_loop3A_132 = arith.extui %parallel_loop3A_131 : i1 to i32
        %parallel_loop3A_133 = arith.constant 0 : i32
        %parallel_loop3A_134 = arith.cmpi slt, %parallel_loop3A_127, %parallel_loop3A_133 : i32
        %parallel_loop3A_135 = arith.extui %parallel_loop3A_134 : i1 to i32
        %parallel_loop3A_136 = arith.subi %parallel_loop3A_132, %parallel_loop3A_135 : i32
        %parallel_loop3A_137 = arith.constant 0 : i32
        %parallel_loop3A_138 = arith.cmpi sgt, %parallel_loop3A_128, %parallel_loop3A_137 : i32
        %parallel_loop3A_139 = arith.extui %parallel_loop3A_138 : i1 to i32
        %parallel_loop3A_140 = arith.constant 0 : i32
        %parallel_loop3A_141 = arith.cmpi slt, %parallel_loop3A_128, %parallel_loop3A_140 : i32
        %parallel_loop3A_142 = arith.extui %parallel_loop3A_141 : i1 to i32
        %parallel_loop3A_143 = arith.subi %parallel_loop3A_139, %parallel_loop3A_142 : i32
        %parallel_loop3A_144 = arith.cmpi ne, %parallel_loop3A_136, %parallel_loop3A_143 : i32
        %parallel_loop3A_145 = arith.remsi %parallel_loop3A_127, %parallel_loop3A_128 : i32
        %parallel_loop3A_146 = arith.constant 0 : i32
        %parallel_loop3A_147 = arith.cmpi ne, %parallel_loop3A_145, %parallel_loop3A_146 : i32
        %parallel_loop3A_148 = arith.andi %parallel_loop3A_144, %parallel_loop3A_147 : i1
        %parallel_loop3A_149 = arith.constant 1 : i32
        %parallel_loop3A_150 = arith.subi %parallel_loop3A_129, %parallel_loop3A_149 : i32
        %parallel_loop3A_151 = arith.select %parallel_loop3A_148, %parallel_loop3A_150, %parallel_loop3A_129 : i32
        %parallel_loop3A_152 = arith.constant 2 : i32
        %parallel_loop3A_153 = arith.constant 0 : i32
        %parallel_loop3A_154 = arith.cmpi eq, %parallel_loop3A_152, %parallel_loop3A_153 : i32
        %parallel_loop3A_155 = arith.constant 1 : i32
        %parallel_loop3A_156 = arith.select %parallel_loop3A_154, %parallel_loop3A_155, %parallel_loop3A_152 : i32
        %parallel_loop3A_157 = arith.remsi %parallel_loop3A_127, %parallel_loop3A_156 : i32
        %parallel_loop3A_158 = arith.constant 0 : i32
        %parallel_loop3A_159 = arith.cmpi ne, %parallel_loop3A_157, %parallel_loop3A_158 : i32
        %parallel_loop3A_160 = arith.constant 0 : i32
        %parallel_loop3A_161 = arith.cmpi slt, %parallel_loop3A_157, %parallel_loop3A_160 : i32
        %parallel_loop3A_162 = arith.constant 0 : i32
        %parallel_loop3A_163 = arith.cmpi slt, %parallel_loop3A_156, %parallel_loop3A_162 : i32
        %parallel_loop3A_164 = arith.xori %parallel_loop3A_161, %parallel_loop3A_163 : i1
        %parallel_loop3A_165 = arith.andi %parallel_loop3A_164, %parallel_loop3A_159 : i1
        %parallel_loop3A_166 = arith.addi %parallel_loop3A_157, %parallel_loop3A_156 : i32
        %parallel_loop3A_167 = arith.select %parallel_loop3A_165, %parallel_loop3A_166, %parallel_loop3A_157 : i32
        %parallel_loop3A_168 = arith.constant 16 : i32
        %parallel_loop3A_169 = arith.muli %parallel_loop3A_167, %parallel_loop3A_168 : i32
        %parallel_loop3A_170 = arith.constant 33 : i32
        %parallel_loop3A_171 = arith.muli %parallel_loop3A_151, %parallel_loop3A_170 : i32
        %parallel_loop3A_172 = arith.addi %parallel_loop3A_171, %parallel_loop3A_169 : i32
        %parallel_loop3A_173 = arith.index_cast %parallel_loop3A_172 : i32 to index
        %parallel_loop3A_174 = tpu.vector_load %arg6[%parallel_loop3A_173] {strides = array<i32>} : memref<16896xf32, #tpu.memory_space<vmem>>, vector<16xf32>,
        %parallel_loop3A_175 = arith.constant 32 : i32
        %parallel_loop3A_176 = arith.muli %parallel_loop3A_151, %parallel_loop3A_175 : i32
        %parallel_loop3A_177 = arith.addi %parallel_loop3A_176, %parallel_loop3A_169 : i32
        %parallel_loop3A_178 = arith.index_cast %parallel_loop3A_177 : i32 to index
        %parallel_loop3A_179 = tpu.vector_load %arg7[%parallel_loop3A_178] {strides = array<i32>} : memref<16384xf32, #tpu.memory_space<vmem>>, vector<16xf32>,
        tpu.vector_store %arg7[%parallel_loop3A_178], %parallel_loop3A_174 {strides = array<i32>} : memref<16384xf32, #tpu.memory_space<vmem>>, vector<16xf32>,
      } {sc.loop_unroll_factor = 8 : i64, sc.parallel_access}
      %mul3A_98 = arith.constant 32 : i32
      %mul3A_99 = arith.muli %mul3A_87, %mul3A_98 : i32
      %dma_start3A_100 = tpu.memref_slice %arg3[%mul3A_99] : memref<32000000xf32, #tpu.memory_space<hbm>> -> memref<16384xf32, #tpu.memory_space<hbm>>
      %dma_start3A_101 = tpu.memref_slice %arg3[%mul3A_99] : memref<32000000xf32, #tpu.memory_space<hbm>> -> memref<16384xf32, #tpu.memory_space<hbm>>
      tpu.enqueue_dma source(%arg7 : memref<16384xf32, #tpu.memory_space<vmem>>) target(%dma_start3A_101 : memref<16384xf32, #tpu.memory_space<hbm>>) target_semaphore(%arg11 : memref<!tpu.dma_semaphore, #tpu.memory_space<semaphore_mem>>)
      %add3A_102 = arith.addi %add3A_4, %mul3A_58 : i32
      %add3A_103 = arith.constant 1 : i32
      %add3A_104 = arith.addi %add3A_102, %add3A_103 : i32
      %min3A_105 = arith.constant 1952 : i32
      %min3A_106 = arith.minsi %add3A_104, %min3A_105 : i32
      %mul3A_107 = arith.constant 512 : i32
      %mul3A_108 = arith.muli %min3A_106, %mul3A_107 : i32
      %dma_wait3A_109 = arith.constant 0 : i32
      %dma_wait3A_110 = tpu.memref_slice %arg2[%dma_wait3A_109, %mul3A_76] : memref<32x1000000xf32, #tpu.memory_space<hbm>> -> memref<32x512xf32, #tpu.memory_space<hbm>>
      %dma_wait3A_111 = arith.constant 0 : i32
      %dma_wait3A_112 = tpu.memref_slice %arg2[%dma_wait3A_111, %mul3A_76] : memref<32x1000000xf32, #tpu.memory_space<hbm>> -> memref<32x512xf32, #tpu.memory_space<hbm>>
      tpu.wait_dma2 semaphore(%arg10 : memref<!tpu.dma_semaphore, #tpu.memory_space<semaphore_mem>>) src(%dma_wait3A_112 : memref<32x512xf32, #tpu.memory_space<hbm>>) dst(%arg5 : memref<32x512xf32, #tpu.memory_space<vmem>>)
      %parallel_loop3A_113 = arith.constant 0 : i32
      %parallel_loop3A_114 = arith.constant 1024 : i32
      %parallel_loop3A_115 = arith.constant 1 : i32
      scf.for %parallel_loop3A_127 = %parallel_loop3A_113 to %parallel_loop3A_114 step %parallel_loop3A_115  : i32 {
        %parallel_loop3A_128 = arith.constant 32 : i32
        %parallel_loop3A_129 = arith.constant 0 : i32
        %parallel_loop3A_130 = arith.cmpi eq, %parallel_loop3A_128, %parallel_loop3A_129 : i32
        %parallel_loop3A_131 = arith.constant 1 : i32
        %parallel_loop3A_132 = arith.select %parallel_loop3A_130, %parallel_loop3A_131, %parallel_loop3A_128 : i32
        %parallel_loop3A_133 = arith.remsi %parallel_loop3A_127, %parallel_loop3A_132 : i32
        %parallel_loop3A_134 = arith.constant 0 : i32
        %parallel_loop3A_135 = arith.cmpi ne, %parallel_loop3A_133, %parallel_loop3A_134 : i32
        %parallel_loop3A_136 = arith.constant 0 : i32
        %parallel_loop3A_137 = arith.cmpi slt, %parallel_loop3A_133, %parallel_loop3A_136 : i32
        %parallel_loop3A_138 = arith.constant 0 : i32
        %parallel_loop3A_139 = arith.cmpi slt, %parallel_loop3A_132, %parallel_loop3A_138 : i32
        %parallel_loop3A_140 = arith.xori %parallel_loop3A_137, %parallel_loop3A_139 : i1
        %parallel_loop3A_141 = arith.andi %parallel_loop3A_140, %parallel_loop3A_135 : i1
        %parallel_loop3A_142 = arith.addi %parallel_loop3A_133, %parallel_loop3A_132 : i32
        %parallel_loop3A_143 = arith.select %parallel_loop3A_141, %parallel_loop3A_142, %parallel_loop3A_133 : i32
        %parallel_loop3A_144 = arith.constant 32 : i32
        %parallel_loop3A_145 = arith.divsi %parallel_loop3A_127, %parallel_loop3A_144 : i32
        %parallel_loop3A_146 = arith.constant 0 : i32
        %parallel_loop3A_147 = arith.cmpi sgt, %parallel_loop3A_127, %parallel_loop3A_146 : i32
        %parallel_loop3A_148 = arith.extui %parallel_loop3A_147 : i1 to i32
        %parallel_loop3A_149 = arith.constant 0 : i32
        %parallel_loop3A_150 = arith.cmpi slt, %parallel_loop3A_127, %parallel_loop3A_149 : i32
        %parallel_loop3A_151 = arith.extui %parallel_loop3A_150 : i1 to i32
        %parallel_loop3A_152 = arith.subi %parallel_loop3A_148, %parallel_loop3A_151 : i32
        %parallel_loop3A_153 = arith.constant 0 : i32
        %parallel_loop3A_154 = arith.cmpi sgt, %parallel_loop3A_144, %parallel_loop3A_153 : i32
        %parallel_loop3A_155 = arith.extui %parallel_loop3A_154 : i1 to i32
        %parallel_loop3A_156 = arith.constant 0 : i32
        %parallel_loop3A_157 = arith.cmpi slt, %parallel_loop3A_144, %parallel_loop3A_156 : i32
        %parallel_loop3A_158 = arith.extui %parallel_loop3A_157 : i1 to i32
        %parallel_loop3A_159 = arith.subi %parallel_loop3A_155, %parallel_loop3A_158 : i32
        %parallel_loop3A_160 = arith.cmpi ne, %parallel_loop3A_152, %parallel_loop3A_159 : i32
        %parallel_loop3A_161 = arith.remsi %parallel_loop3A_127, %parallel_loop3A_144 : i32
        %parallel_loop3A_162 = arith.constant 0 : i32
        %parallel_loop3A_163 = arith.cmpi ne, %parallel_loop3A_161, %parallel_loop3A_162 : i32
        %parallel_loop3A_164 = arith.andi %parallel_loop3A_160, %parallel_loop3A_163 : i1
        %parallel_loop3A_165 = arith.constant 1 : i32
        %parallel_loop3A_166 = arith.subi %parallel_loop3A_145, %parallel_loop3A_165 : i32
        %parallel_loop3A_167 = arith.select %parallel_loop3A_164, %parallel_loop3A_166, %parallel_loop3A_145 : i32
        %parallel_loop3A_168 = arith.constant 16 : i32
        %parallel_loop3A_169 = arith.muli %parallel_loop3A_167, %parallel_loop3A_168 : i32
        %parallel_loop3A_170 = arith.index_cast %parallel_loop3A_143 : i32 to index
        %parallel_loop3A_171 = arith.index_cast %parallel_loop3A_169 : i32 to index
        %parallel_loop3A_172 = tpu.vector_load %arg5[%parallel_loop3A_170, %parallel_loop3A_171] {strides = array<i32>} : memref<32x512xf32, #tpu.memory_space<vmem>>, vector<16xf32>,
        %parallel_loop3A_173 = arith.constant 528 : i32
        %parallel_loop3A_174 = arith.muli %parallel_loop3A_167, %parallel_loop3A_173 : i32
        %parallel_loop3A_175 = arith.addi %parallel_loop3A_174, %parallel_loop3A_143 : i32
        %parallel_loop3A_176 = vector.broadcast %parallel_loop3A_175 : i32 to vector<16xi32>
        %parallel_loop3A_177 = arith.addi %mul3A_7, %parallel_loop3A_176 : vector<16xi32>
        tpu.vector_store_idx %arg6[%parallel_loop3A_177], %parallel_loop3A_172 : memref<16896xf32, #tpu.memory_space<vmem>>[vector<16xi32>], vector<16xf32>,
      } {sc.loop_unroll_factor = 8 : i64, sc.parallel_access}
      %parallel_loop3A_116 = arith.constant 0 : i32
      %parallel_loop3A_117 = arith.constant 1024 : i32
      %parallel_loop3A_118 = arith.constant 1 : i32
      scf.for %parallel_loop3A_127 = %parallel_loop3A_116 to %parallel_loop3A_117 step %parallel_loop3A_118  : i32 {
        %parallel_loop3A_128 = arith.constant 2 : i32
        %parallel_loop3A_129 = arith.divsi %parallel_loop3A_127, %parallel_loop3A_128 : i32
        %parallel_loop3A_130 = arith.constant 0 : i32
        %parallel_loop3A_131 = arith.cmpi sgt, %parallel_loop3A_127, %parallel_loop3A_130 : i32
        %parallel_loop3A_132 = arith.extui %parallel_loop3A_131 : i1 to i32
        %parallel_loop3A_133 = arith.constant 0 : i32
        %parallel_loop3A_134 = arith.cmpi slt, %parallel_loop3A_127, %parallel_loop3A_133 : i32
        %parallel_loop3A_135 = arith.extui %parallel_loop3A_134 : i1 to i32
        %parallel_loop3A_136 = arith.subi %parallel_loop3A_132, %parallel_loop3A_135 : i32
        %parallel_loop3A_137 = arith.constant 0 : i32
        %parallel_loop3A_138 = arith.cmpi sgt, %parallel_loop3A_128, %parallel_loop3A_137 : i32
        %parallel_loop3A_139 = arith.extui %parallel_loop3A_138 : i1 to i32
        %parallel_loop3A_140 = arith.constant 0 : i32
        %parallel_loop3A_141 = arith.cmpi slt, %parallel_loop3A_128, %parallel_loop3A_140 : i32
        %parallel_loop3A_142 = arith.extui %parallel_loop3A_141 : i1 to i32
        %parallel_loop3A_143 = arith.subi %parallel_loop3A_139, %parallel_loop3A_142 : i32
        %parallel_loop3A_144 = arith.cmpi ne, %parallel_loop3A_136, %parallel_loop3A_143 : i32
        %parallel_loop3A_145 = arith.remsi %parallel_loop3A_127, %parallel_loop3A_128 : i32
        %parallel_loop3A_146 = arith.constant 0 : i32
        %parallel_loop3A_147 = arith.cmpi ne, %parallel_loop3A_145, %parallel_loop3A_146 : i32
        %parallel_loop3A_148 = arith.andi %parallel_loop3A_144, %parallel_loop3A_147 : i1
        %parallel_loop3A_149 = arith.constant 1 : i32
        %parallel_loop3A_150 = arith.subi %parallel_loop3A_129, %parallel_loop3A_149 : i32
        %parallel_loop3A_151 = arith.select %parallel_loop3A_148, %parallel_loop3A_150, %parallel_loop3A_129 : i32
        %parallel_loop3A_152 = arith.constant 2 : i32
        %parallel_loop3A_153 = arith.constant 0 : i32
        %parallel_loop3A_154 = arith.cmpi eq, %parallel_loop3A_152, %parallel_loop3A_153 : i32
        %parallel_loop3A_155 = arith.constant 1 : i32
        %parallel_loop3A_156 = arith.select %parallel_loop3A_154, %parallel_loop3A_155, %parallel_loop3A_152 : i32
        %parallel_loop3A_157 = arith.remsi %parallel_loop3A_127, %parallel_loop3A_156 : i32
        %parallel_loop3A_158 = arith.constant 0 : i32
        %parallel_loop3A_159 = arith.cmpi ne, %parallel_loop3A_157, %parallel_loop3A_158 : i32
        %parallel_loop3A_160 = arith.constant 0 : i32
        %parallel_loop3A_161 = arith.cmpi slt, %parallel_loop3A_157, %parallel_loop3A_160 : i32
        %parallel_loop3A_162 = arith.constant 0 : i32
        %parallel_loop3A_163 = arith.cmpi slt, %parallel_loop3A_156, %parallel_loop3A_162 : i32
        %parallel_loop3A_164 = arith.xori %parallel_loop3A_161, %parallel_loop3A_163 : i1
        %parallel_loop3A_165 = arith.andi %parallel_loop3A_164, %parallel_loop3A_159 : i1
        %parallel_loop3A_166 = arith.addi %parallel_loop3A_157, %parallel_loop3A_156 : i32
        %parallel_loop3A_167 = arith.select %parallel_loop3A_165, %parallel_loop3A_166, %parallel_loop3A_157 : i32
        %parallel_loop3A_168 = arith.constant 16 : i32
        %parallel_loop3A_169 = arith.muli %parallel_loop3A_167, %parallel_loop3A_168 : i32
        %parallel_loop3A_170 = arith.constant 33 : i32
        %parallel_loop3A_171 = arith.muli %parallel_loop3A_151, %parallel_loop3A_170 : i32
        %parallel_loop3A_172 = arith.addi %parallel_loop3A_171, %parallel_loop3A_169 : i32
        %parallel_loop3A_173 = arith.index_cast %parallel_loop3A_172 : i32 to index
        %parallel_loop3A_174 = tpu.vector_load %arg6[%parallel_loop3A_173] {strides = array<i32>} : memref<16896xf32, #tpu.memory_space<vmem>>, vector<16xf32>,
        %parallel_loop3A_175 = arith.constant 32 : i32
        %parallel_loop3A_176 = arith.muli %parallel_loop3A_151, %parallel_loop3A_175 : i32
        %parallel_loop3A_177 = arith.addi %parallel_loop3A_176, %parallel_loop3A_169 : i32
        %parallel_loop3A_178 = arith.index_cast %parallel_loop3A_177 : i32 to index
        %parallel_loop3A_179 = tpu.vector_load %arg8[%parallel_loop3A_178] {strides = array<i32>} : memref<16384xf32, #tpu.memory_space<vmem>>, vector<16xf32>,
        tpu.vector_store %arg8[%parallel_loop3A_178], %parallel_loop3A_174 {strides = array<i32>} : memref<16384xf32, #tpu.memory_space<vmem>>, vector<16xf32>,
      } {sc.loop_unroll_factor = 8 : i64, sc.parallel_access}
      %mul3A_119 = arith.constant 32 : i32
      %mul3A_120 = arith.muli %mul3A_108, %mul3A_119 : i32
      %dma_start3A_121 = tpu.memref_slice %arg3[%mul3A_120] : memref<32000000xf32, #tpu.memory_space<hbm>> -> memref<16384xf32, #tpu.memory_space<hbm>>
      %dma_start3A_122 = tpu.memref_slice %arg3[%mul3A_120] : memref<32000000xf32, #tpu.memory_space<hbm>> -> memref<16384xf32, #tpu.memory_space<hbm>>
      tpu.enqueue_dma source(%arg8 : memref<16384xf32, #tpu.memory_space<vmem>>) target(%dma_start3A_122 : memref<16384xf32, #tpu.memory_space<hbm>>) target_semaphore(%arg12 : memref<!tpu.dma_semaphore, #tpu.memory_space<semaphore_mem>>)
      %dma_wait3A_123 = tpu.memref_slice %arg3[%mul3A_99] : memref<32000000xf32, #tpu.memory_space<hbm>> -> memref<16384xf32, #tpu.memory_space<hbm>>
      %dma_wait3A_124 = tpu.memref_slice %arg3[%mul3A_99] : memref<32000000xf32, #tpu.memory_space<hbm>> -> memref<16384xf32, #tpu.memory_space<hbm>>
      tpu.wait_dma2 semaphore(%arg11 : memref<!tpu.dma_semaphore, #tpu.memory_space<semaphore_mem>>) src(%arg7 : memref<16384xf32, #tpu.memory_space<vmem>>) dst(%dma_wait3A_124 : memref<16384xf32, #tpu.memory_space<hbm>>)
      %dma_wait3A_125 = tpu.memref_slice %arg3[%mul3A_120] : memref<32000000xf32, #tpu.memory_space<hbm>> -> memref<16384xf32, #tpu.memory_space<hbm>>
      %dma_wait3A_126 = tpu.memref_slice %arg3[%mul3A_120] : memref<32000000xf32, #tpu.memory_space<hbm>> -> memref<16384xf32, #tpu.memory_space<hbm>>
      tpu.wait_dma2 semaphore(%arg12 : memref<!tpu.dma_semaphore, #tpu.memory_space<semaphore_mem>>) src(%arg8 : memref<16384xf32, #tpu.memory_space<vmem>>) dst(%dma_wait3A_126 : memref<16384xf32, #tpu.memory_space<hbm>>)
    }
    %scan3A_12 = arith.constant 31 : i32
    %mul3A_13 = arith.constant 0 : i32
    %mul3A_14 = arith.muli %add3A, %mul3A_13 : i32
    %add3A_15 = arith.constant 999936 : i32
    %add3A_16 = arith.addi %add3A_15, %mul3A_14 : i32
    %dma_start3A = arith.constant 0 : i32
    %dma_start3A_17 = arith.constant 0 : i32
    %dma_start3A_18 = tpu.memref_slice %arg4[%dma_start3A, %dma_start3A_17] : memref<32x512xf32, #tpu.memory_space<vmem>> -> memref<32x128xf32, #tpu.memory_space<vmem>>
    %dma_start3A_19 = arith.constant 0 : i32
    %dma_start3A_20 = tpu.memref_slice %arg2[%dma_start3A_19, %add3A_16] : memref<32x1000000xf32, #tpu.memory_space<hbm>> -> memref<32x128xf32, #tpu.memory_space<hbm>>
    %dma_start3A_21 = arith.constant 0 : i32
    %dma_start3A_22 = arith.constant 0 : i32
    %dma_start3A_23 = tpu.memref_slice %arg4[%dma_start3A_21, %dma_start3A_22] : memref<32x512xf32, #tpu.memory_space<vmem>> -> memref<32x128xf32, #tpu.memory_space<vmem>>
    %dma_start3A_24 = arith.constant 0 : i32
    %dma_start3A_25 = tpu.memref_slice %arg2[%dma_start3A_24, %add3A_16] : memref<32x1000000xf32, #tpu.memory_space<hbm>> -> memref<32x128xf32, #tpu.memory_space<hbm>>
    tpu.enqueue_dma source(%dma_start3A_25 : memref<32x128xf32, #tpu.memory_space<hbm>>) target(%dma_start3A_23 : memref<32x128xf32, #tpu.memory_space<vmem>>) target_semaphore(%arg9 : memref<!tpu.dma_semaphore, #tpu.memory_space<semaphore_mem>>)
    %dma_wait3A = arith.constant 0 : i32
    %dma_wait3A_26 = arith.constant 0 : i32
    %dma_wait3A_27 = tpu.memref_slice %arg4[%dma_wait3A, %dma_wait3A_26] : memref<32x512xf32, #tpu.memory_space<vmem>> -> memref<32x128xf32, #tpu.memory_space<vmem>>
    %dma_wait3A_28 = arith.constant 0 : i32
    %dma_wait3A_29 = tpu.memref_slice %arg2[%dma_wait3A_28, %add3A_16] : memref<32x1000000xf32, #tpu.memory_space<hbm>> -> memref<32x128xf32, #tpu.memory_space<hbm>>
    %dma_wait3A_30 = arith.constant 0 : i32
    %dma_wait3A_31 = arith.constant 0 : i32
    %dma_wait3A_32 = tpu.memref_slice %arg4[%dma_wait3A_30, %dma_wait3A_31] : memref<32x512xf32, #tpu.memory_space<vmem>> -> memref<32x128xf32, #tpu.memory_space<vmem>>
    %dma_wait3A_33 = arith.constant 0 : i32
    %dma_wait3A_34 = tpu.memref_slice %arg2[%dma_wait3A_33, %add3A_16] : memref<32x1000000xf32, #tpu.memory_space<hbm>> -> memref<32x128xf32, #tpu.memory_space<hbm>>
    tpu.wait_dma2 semaphore(%arg9 : memref<!tpu.dma_semaphore, #tpu.memory_space<semaphore_mem>>) src(%dma_wait3A_34 : memref<32x128xf32, #tpu.memory_space<hbm>>) dst(%dma_wait3A_32 : memref<32x128xf32, #tpu.memory_space<vmem>>)
    %parallel_loop3A = arith.constant 0 : i32
    %parallel_loop3A_35 = arith.constant 256 : i32
    %parallel_loop3A_36 = arith.constant 1 : i32
    scf.for %parallel_loop3A_56 = %parallel_loop3A to %parallel_loop3A_35 step %parallel_loop3A_36  : i32 {
      %parallel_loop3A_57 = arith.constant 32 : i32
      %parallel_loop3A_58 = arith.constant 0 : i32
      %parallel_loop3A_59 = arith.cmpi eq, %parallel_loop3A_57, %parallel_loop3A_58 : i32
      %parallel_loop3A_60 = arith.constant 1 : i32
      %parallel_loop3A_61 = arith.select %parallel_loop3A_59, %parallel_loop3A_60, %parallel_loop3A_57 : i32
      %parallel_loop3A_62 = arith.remsi %parallel_loop3A_56, %parallel_loop3A_61 : i32
      %parallel_loop3A_63 = arith.constant 0 : i32
      %parallel_loop3A_64 = arith.cmpi ne, %parallel_loop3A_62, %parallel_loop3A_63 : i32
      %parallel_loop3A_65 = arith.constant 0 : i32
      %parallel_loop3A_66 = arith.cmpi slt, %parallel_loop3A_62, %parallel_loop3A_65 : i32
      %parallel_loop3A_67 = arith.constant 0 : i32
      %parallel_loop3A_68 = arith.cmpi slt, %parallel_loop3A_61, %parallel_loop3A_67 : i32
      %parallel_loop3A_69 = arith.xori %parallel_loop3A_66, %parallel_loop3A_68 : i1
      %parallel_loop3A_70 = arith.andi %parallel_loop3A_69, %parallel_loop3A_64 : i1
      %parallel_loop3A_71 = arith.addi %parallel_loop3A_62, %parallel_loop3A_61 : i32
      %parallel_loop3A_72 = arith.select %parallel_loop3A_70, %parallel_loop3A_71, %parallel_loop3A_62 : i32
      %parallel_loop3A_73 = arith.constant 32 : i32
      %parallel_loop3A_74 = arith.divsi %parallel_loop3A_56, %parallel_loop3A_73 : i32
      %parallel_loop3A_75 = arith.constant 0 : i32
      %parallel_loop3A_76 = arith.cmpi sgt, %parallel_loop3A_56, %parallel_loop3A_75 : i32
      %parallel_loop3A_77 = arith.extui %parallel_loop3A_76 : i1 to i32
      %parallel_loop3A_78 = arith.constant 0 : i32
      %parallel_loop3A_79 = arith.cmpi slt, %parallel_loop3A_56, %parallel_loop3A_78 : i32
      %parallel_loop3A_80 = arith.extui %parallel_loop3A_79 : i1 to i32
      %parallel_loop3A_81 = arith.subi %parallel_loop3A_77, %parallel_loop3A_80 : i32
      %parallel_loop3A_82 = arith.constant 0 : i32
      %parallel_loop3A_83 = arith.cmpi sgt, %parallel_loop3A_73, %parallel_loop3A_82 : i32
      %parallel_loop3A_84 = arith.extui %parallel_loop3A_83 : i1 to i32
      %parallel_loop3A_85 = arith.constant 0 : i32
      %parallel_loop3A_86 = arith.cmpi slt, %parallel_loop3A_73, %parallel_loop3A_85 : i32
      %parallel_loop3A_87 = arith.extui %parallel_loop3A_86 : i1 to i32
      %parallel_loop3A_88 = arith.subi %parallel_loop3A_84, %parallel_loop3A_87 : i32
      %parallel_loop3A_89 = arith.cmpi ne, %parallel_loop3A_81, %parallel_loop3A_88 : i32
      %parallel_loop3A_90 = arith.remsi %parallel_loop3A_56, %parallel_loop3A_73 : i32
      %parallel_loop3A_91 = arith.constant 0 : i32
      %parallel_loop3A_92 = arith.cmpi ne, %parallel_loop3A_90, %parallel_loop3A_91 : i32
      %parallel_loop3A_93 = arith.andi %parallel_loop3A_89, %parallel_loop3A_92 : i1
      %parallel_loop3A_94 = arith.constant 1 : i32
      %parallel_loop3A_95 = arith.subi %parallel_loop3A_74, %parallel_loop3A_94 : i32
      %parallel_loop3A_96 = arith.select %parallel_loop3A_93, %parallel_loop3A_95, %parallel_loop3A_74 : i32
      %parallel_loop3A_97 = arith.constant 16 : i32
      %parallel_loop3A_98 = arith.muli %parallel_loop3A_96, %parallel_loop3A_97 : i32
      %parallel_loop3A_99 = arith.index_cast %parallel_loop3A_72 : i32 to index
      %parallel_loop3A_100 = arith.index_cast %parallel_loop3A_98 : i32 to index
      %parallel_loop3A_101 = tpu.vector_load %arg4[%parallel_loop3A_99, %parallel_loop3A_100] {strides = array<i32>} : memref<32x512xf32, #tpu.memory_space<vmem>>, vector<16xf32>,
      %parallel_loop3A_102 = arith.constant 528 : i32
      %parallel_loop3A_103 = arith.muli %parallel_loop3A_96, %parallel_loop3A_102 : i32
      %parallel_loop3A_104 = arith.addi %parallel_loop3A_103, %parallel_loop3A_72 : i32
      %parallel_loop3A_105 = vector.broadcast %parallel_loop3A_104 : i32 to vector<16xi32>
      %parallel_loop3A_106 = arith.addi %mul3A_7, %parallel_loop3A_105 : vector<16xi32>
      tpu.vector_store_idx %arg6[%parallel_loop3A_106], %parallel_loop3A_101 : memref<16896xf32, #tpu.memory_space<vmem>>[vector<16xi32>], vector<16xf32>,
    } {sc.loop_unroll_factor = 8 : i64, sc.parallel_access}
    %parallel_loop3A_37 = arith.constant 0 : i32
    %parallel_loop3A_38 = arith.constant 256 : i32
    %parallel_loop3A_39 = arith.constant 1 : i32
    scf.for %parallel_loop3A_56 = %parallel_loop3A_37 to %parallel_loop3A_38 step %parallel_loop3A_39  : i32 {
      %parallel_loop3A_57 = arith.constant 2 : i32
      %parallel_loop3A_58 = arith.divsi %parallel_loop3A_56, %parallel_loop3A_57 : i32
      %parallel_loop3A_59 = arith.constant 0 : i32
      %parallel_loop3A_60 = arith.cmpi sgt, %parallel_loop3A_56, %parallel_loop3A_59 : i32
      %parallel_loop3A_61 = arith.extui %parallel_loop3A_60 : i1 to i32
      %parallel_loop3A_62 = arith.constant 0 : i32
      %parallel_loop3A_63 = arith.cmpi slt, %parallel_loop3A_56, %parallel_loop3A_62 : i32
      %parallel_loop3A_64 = arith.extui %parallel_loop3A_63 : i1 to i32
      %parallel_loop3A_65 = arith.subi %parallel_loop3A_61, %parallel_loop3A_64 : i32
      %parallel_loop3A_66 = arith.constant 0 : i32
      %parallel_loop3A_67 = arith.cmpi sgt, %parallel_loop3A_57, %parallel_loop3A_66 : i32
      %parallel_loop3A_68 = arith.extui %parallel_loop3A_67 : i1 to i32
      %parallel_loop3A_69 = arith.constant 0 : i32
      %parallel_loop3A_70 = arith.cmpi slt, %parallel_loop3A_57, %parallel_loop3A_69 : i32
      %parallel_loop3A_71 = arith.extui %parallel_loop3A_70 : i1 to i32
      %parallel_loop3A_72 = arith.subi %parallel_loop3A_68, %parallel_loop3A_71 : i32
      %parallel_loop3A_73 = arith.cmpi ne, %parallel_loop3A_65, %parallel_loop3A_72 : i32
      %parallel_loop3A_74 = arith.remsi %parallel_loop3A_56, %parallel_loop3A_57 : i32
      %parallel_loop3A_75 = arith.constant 0 : i32
      %parallel_loop3A_76 = arith.cmpi ne, %parallel_loop3A_74, %parallel_loop3A_75 : i32
      %parallel_loop3A_77 = arith.andi %parallel_loop3A_73, %parallel_loop3A_76 : i1
      %parallel_loop3A_78 = arith.constant 1 : i32
      %parallel_loop3A_79 = arith.subi %parallel_loop3A_58, %parallel_loop3A_78 : i32
      %parallel_loop3A_80 = arith.select %parallel_loop3A_77, %parallel_loop3A_79, %parallel_loop3A_58 : i32
      %parallel_loop3A_81 = arith.constant 2 : i32
      %parallel_loop3A_82 = arith.constant 0 : i32
      %parallel_loop3A_83 = arith.cmpi eq, %parallel_loop3A_81, %parallel_loop3A_82 : i32
      %parallel_loop3A_84 = arith.constant 1 : i32
      %parallel_loop3A_85 = arith.select %parallel_loop3A_83, %parallel_loop3A_84, %parallel_loop3A_81 : i32
      %parallel_loop3A_86 = arith.remsi %parallel_loop3A_56, %parallel_loop3A_85 : i32
      %parallel_loop3A_87 = arith.constant 0 : i32
      %parallel_loop3A_88 = arith.cmpi ne, %parallel_loop3A_86, %parallel_loop3A_87 : i32
      %parallel_loop3A_89 = arith.constant 0 : i32
      %parallel_loop3A_90 = arith.cmpi slt, %parallel_loop3A_86, %parallel_loop3A_89 : i32
      %parallel_loop3A_91 = arith.constant 0 : i32
      %parallel_loop3A_92 = arith.cmpi slt, %parallel_loop3A_85, %parallel_loop3A_91 : i32
      %parallel_loop3A_93 = arith.xori %parallel_loop3A_90, %parallel_loop3A_92 : i1
      %parallel_loop3A_94 = arith.andi %parallel_loop3A_93, %parallel_loop3A_88 : i1
      %parallel_loop3A_95 = arith.addi %parallel_loop3A_86, %parallel_loop3A_85 : i32
      %parallel_loop3A_96 = arith.select %parallel_loop3A_94, %parallel_loop3A_95, %parallel_loop3A_86 : i32
      %parallel_loop3A_97 = arith.constant 16 : i32
      %parallel_loop3A_98 = arith.muli %parallel_loop3A_96, %parallel_loop3A_97 : i32
      %parallel_loop3A_99 = arith.constant 33 : i32
      %parallel_loop3A_100 = arith.muli %parallel_loop3A_80, %parallel_loop3A_99 : i32
      %parallel_loop3A_101 = arith.addi %parallel_loop3A_100, %parallel_loop3A_98 : i32
      %parallel_loop3A_102 = arith.index_cast %parallel_loop3A_101 : i32 to index
      %parallel_loop3A_103 = tpu.vector_load %arg6[%parallel_loop3A_102] {strides = array<i32>} : memref<16896xf32, #tpu.memory_space<vmem>>, vector<16xf32>,
      %parallel_loop3A_104 = arith.constant 32 : i32
      %parallel_loop3A_105 = arith.muli %parallel_loop3A_80, %parallel_loop3A_104 : i32
      %parallel_loop3A_106 = arith.addi %parallel_loop3A_105, %parallel_loop3A_98 : i32
      %parallel_loop3A_107 = arith.index_cast %parallel_loop3A_106 : i32 to index
      %parallel_loop3A_108 = tpu.vector_load %arg7[%parallel_loop3A_107] {strides = array<i32>} : memref<16384xf32, #tpu.memory_space<vmem>>, vector<16xf32>,
      tpu.vector_store %arg7[%parallel_loop3A_107], %parallel_loop3A_103 {strides = array<i32>} : memref<16384xf32, #tpu.memory_space<vmem>>, vector<16xf32>,
    } {sc.loop_unroll_factor = 8 : i64, sc.parallel_access}
    %dma_start3A_40 = arith.constant 0 : i32
    %dma_start3A_41 = tpu.memref_slice %arg7[%dma_start3A_40] : memref<16384xf32, #tpu.memory_space<vmem>> -> memref<2048xf32, #tpu.memory_space<vmem>>
    %dma_start3A_42 = arith.constant 31997952 : i32
    %dma_start3A_43 = tpu.memref_slice %arg3[%dma_start3A_42] : memref<32000000xf32, #tpu.memory_space<hbm>> -> memref<2048xf32, #tpu.memory_space<hbm>>
    %dma_start3A_44 = arith.constant 31997952 : i32
    %dma_start3A_45 = tpu.memref_slice %arg3[%dma_start3A_44] : memref<32000000xf32, #tpu.memory_space<hbm>> -> memref<2048xf32, #tpu.memory_space<hbm>>
    %dma_start3A_46 = arith.constant 0 : i32
    %dma_start3A_47 = tpu.memref_slice %arg7[%dma_start3A_46] : memref<16384xf32, #tpu.memory_space<vmem>> -> memref<2048xf32, #tpu.memory_space<vmem>>
    tpu.enqueue_dma source(%dma_start3A_47 : memref<2048xf32, #tpu.memory_space<vmem>>) target(%dma_start3A_45 : memref<2048xf32, #tpu.memory_space<hbm>>) target_semaphore(%arg11 : memref<!tpu.dma_semaphore, #tpu.memory_space<semaphore_mem>>)
    %dma_wait3A_48 = arith.constant 0 : i32
    %dma_wait3A_49 = tpu.memref_slice %arg7[%dma_wait3A_48] : memref<16384xf32, #tpu.memory_space<vmem>> -> memref<2048xf32, #tpu.memory_space<vmem>>
    %dma_wait3A_50 = arith.constant 31997952 : i32
    %dma_wait3A_51 = tpu.memref_slice %arg3[%dma_wait3A_50] : memref<32000000xf32, #tpu.memory_space<hbm>> -> memref<2048xf32, #tpu.memory_space<hbm>>
    %dma_wait3A_52 = arith.constant 31997952 : i32
    %dma_wait3A_53 = tpu.memref_slice %arg3[%dma_wait3A_52] : memref<32000000xf32, #tpu.memory_space<hbm>> -> memref<2048xf32, #tpu.memory_space<hbm>>
    %dma_wait3A_54 = arith.constant 0 : i32
    %dma_wait3A_55 = tpu.memref_slice %arg7[%dma_wait3A_54] : memref<16384xf32, #tpu.memory_space<vmem>> -> memref<2048xf32, #tpu.memory_space<vmem>>
    tpu.wait_dma2 semaphore(%arg11 : memref<!tpu.dma_semaphore, #tpu.memory_space<semaphore_mem>>) src(%dma_wait3A_55 : memref<2048xf32, #tpu.memory_space<vmem>>) dst(%dma_wait3A_53 : memref<2048xf32, #tpu.memory_space<hbm>>)
    return
  }
}

</mosaic_0001>

<sc_bundles>
// kernel: kernel.4.cloned.1.call-start
scs
__scs_entry_jumppad:
0x0: {  	(pc) =	sbr.rel $0x88, $3  }
0x1: {  	(tag) =	ssettag $0x0;
	lr =	simm.s32 $0x1  }
0x2: {  	[smem:$0x3F9F] =	sst lr;
	_ =	strace $0xD0000000  }
0x3: {  	_ = 	snop  }
0x4: {  	_ = 	snop  }
0x5: {  	_ = 	snop  }
0x6: {  	_ = 	snop  }
0x7: {  	_ = 	snop  }
__scs_overlays_trampoline_lowered:
0x8: {  	[smem:$0x3FAE] =	sst s0  }
0x9: {  	[smem:$0x3FAF] =	sst s1  }
0xa: {  	[smem:$0x3FB0] =	sst s2  }
0xb: {  	[smem:$0x3FB1] =	sst s3  }
0xc: {  	[smem:$0x3FB2] =	sst s4  }
0xd: {  	[smem:$0x3FB3] =	sst s5  }
0xe: {  	[smem:$0x3FB4] =	sst s6  }
0xf: {  	[smem:$0x3FB5] =	sst s7  }
0x10: {  	[smem:$0x3FB6] =	sst s8  }
0x11: {  	[smem:$0x3FB7] =	sst s9;
	s0 =	simm.s32 @!p0 $0x0  }
0x12: {  	s1 =	sld [smem:$0x3F9D];
	s0 =	simm.s32 @p0 $0x1  }
0x13: {  	[smem:$0x3FB8] =	sst s0;
	s0 =	simm.s32 @!p1 $0x0  }
0x14: {  	s2 =	sld [smem:$0x3F9C];
	s0 =	simm.s32 @p1 $0x1  }
0x15: {  	[smem:$0x3FB9] =	sst s0;
	s0 =	simm.s32 @!p2 $0x0  }
0x16: {  	s3 =	sld [smem:$0x3FDB];
	s0 =	simm.s32 @p2 $0x1  }
0x17: {  	s4 =	simm.s32 $0x1BF5;
	[smem:$0x3FBB] =	sst s0  }
0x18: {  	s0 =	sld [smem:$0x3F9E];
	_ =	swait.ge [sflag:s4], $0x0  }
0x19: {  	s7 =	sld [smem:$0x3F9F]  }
0x1a: {  	s8 =	sadd.s32 $0xFFFFE003, lr  }
0x1b: {  	s9 =	sadd.s32 $0xFFFFFEF7, lr;
	s5 =	simm.s32 $0xFFFFFFFF;
	p2 =	slt.u32 s8, $0xFFFFF086  }
0x1c: {  	p1 =	slt.u32 s9, $0xF7A;
	s5 =	simm.s32 @!p2 $0x0  }
0x1d: {  	s5 =	simm.s32 @p1 $0x1;
	p0 =	seq.s32 s7, s2  }
0x1e: {  	s7 =	smul.u32 @!p0 $0xF7A, s2;
	p2 =	seq.s32 @!p0 s5, $0x0  }
0x1f: {  	s9 =	smul.u32 $0xF7A, s1;
	s8 =	simm.s32 @!p0 $0x1BF5;
	p2 =	por !p2, p0  }
0x20: {  	[sflag:s8] =	ssyncset.s32 @!p0 $0xFFFFF086;
	s6 =	sadd.s32 @!p0 s3, s7;
	s7 =	simm.s32 @!p0 $0x108  }
0x21: {  	s3 =	sadd.s32 s3, s9;
	s6 =	sadd.s32 @!p0 $0x88, s6;
	s7 =	simm.s32 @p2 $0x1082  }
0x22: {  	[simem:s7], [sflag:s8] =	dma.local @!p0 [hbm:s6], $0xF7A  }
0x23: {  	s9 =	sor.u32 $0xD0000000, s2;
	s6 =	simm.s32 $0x108;
	_ =	swait.ge @!p0 [sflag:s8], $0x0  }
0x24: {  	s3 =	sadd.s32 $0x88, s3;
	s6 =	simm.s32 @!p1 $0x1082;
	[sflag:s4] =	ssyncset.s32 $0xFFFFF086  }
0x25: {  	[simem:s6], [sflag:s4] =	dma.local [hbm:s3], $0xF7A  }
0x26: {  	[smem:$0x3F9F] =	sst s1;
	(tag) =	ssettag s2;
	_ =	strace s9  }
0x27: {  	s1 =	sld [smem:$0x3FAF]  }
0x28: {  	s2 =	sld [smem:$0x3FB0]  }
0x29: {  	s4 =	sld [smem:$0x3FB2]  }
0x2a: {  	p0 =	seq.s32 s5, $0x0;
	s5 =	sld [smem:$0x3FB3]  }
0x2b: {  	s6 =	sld [smem:$0x3FB4]  }
0x2c: {  	s7 =	sld [smem:$0x3FB5]  }
0x2d: {  	s3 =	simm.s32 $0x108;
	s8 =	sld [smem:$0x3FB6]  }
0x2e: {  	s3 =	simm.s32 @!p0 $0x1082;
	s9 =	sld [smem:$0x3FB7]  }
0x2f: {  	lr =	sadd.s32 s0, s3;
	s0 =	sld [smem:$0x3FAE]  }
0x30: {  	s3 =	sld [smem:$0x3FB1]  }
0x31: {  	[smem:$0x3FBA] =	sst s10  }
0x32: {  	s10 =	sld [smem:$0x3FB8];
	_ =	sdelay $0x3  }
0x33: {  	p0 =	seq.s32 s10, $0x1;
	s10 =	sld [smem:$0x3FBA];
	_ =	sdelay $0x3  }
0x34: {  	[smem:$0x3FBA] =	sst s10  }
0x35: {  	s10 =	sld [smem:$0x3FB9];
	_ =	sdelay $0x3  }
0x36: {  	p1 =	seq.s32 s10, $0x1;
	s10 =	sld [smem:$0x3FBA];
	_ =	sdelay $0x3  }
0x37: {  	[smem:$0x3FBA] =	sst s10  }
0x38: {  	s10 =	sld [smem:$0x3FBB]  }
0x39: {  	_ = 	snop;
	(pc) =	sbr.ind lr, $3  }
0x3a: {  	_ = 	snop  }
0x3b: {  	_ = 	snop  }
0x3c: {  	p2 =	seq.s32 s10, $0x1;
	s10 =	sld [smem:$0x3FBA]  }
0x3d: {  	_ =	shalt  }
0x3e: {  	_ =	shalt  }
0x3f: {  	_ =	shalt  }
0x40: {  	_ =	shalt  }
0x41: {  	_ =	shalt  }
0x42: {  	_ =	shalt  }
0x43: {  	_ =	shalt  }
0x44: {  	_ =	shalt  }
0x45: {  	_ =	shalt  }
0x46: {  	_ =	shalt  }
0x47: {  	_ =	shalt  }
0x48: {  	_ =	shalt  }
0x49: {  	_ =	shalt  }
0x4a: {  	_ =	shalt  }
0x4b: {  	_ =	shalt  }
0x4c: {  	_ =	shalt  }
0x4d: {  	_ =	shalt  }
0x4e: {  	_ =	shalt  }
0x4f: {  	_ =	shalt  }
0x50: {  	_ =	shalt  }
0x51: {  	_ =	shalt  }
0x52: {  	_ =	shalt  }
0x53: {  	_ =	shalt  }
0x54: {  	_ =	shalt  }
0x55: {  	_ =	shalt  }
0x56: {  	_ =	shalt  }
0x57: {  	_ =	shalt  }
0x58: {  	_ =	shalt  }
0x59: {  	_ =	shalt  }
0x5a: {  	_ =	shalt  }
0x5b: {  	_ =	shalt  }
0x5c: {  	_ =	shalt  }
0x5d: {  	_ =	shalt  }
0x5e: {  	_ =	shalt  }
0x5f: {  	_ =	shalt  }
0x60: {  	_ =	shalt  }
0x61: {  	_ =	shalt  }
0x62: {  	_ =	shalt  }
0x63: {  	_ =	shalt  }
0x64: {  	_ =	shalt  }
0x65: {  	_ =	shalt  }
0x66: {  	_ =	shalt  }
0x67: {  	_ =	shalt  }
0x68: {  	_ =	shalt  }
0x69: {  	_ =	shalt  }
0x6a: {  	_ =	shalt  }
0x6b: {  	_ =	shalt  }
0x6c: {  	_ =	shalt  }
0x6d: {  	_ =	shalt  }
0x6e: {  	_ =	shalt  }
0x6f: {  	_ =	shalt  }
0x70: {  	_ =	shalt  }
0x71: {  	_ =	shalt  }
0x72: {  	_ =	shalt  }
0x73: {  	_ =	shalt  }
0x74: {  	_ =	shalt  }
0x75: {  	_ =	shalt  }
0x76: {  	_ =	shalt  }
0x77: {  	_ =	shalt  }
0x78: {  	_ =	shalt  }
0x79: {  	_ =	shalt  }
0x7a: {  	_ =	shalt  }
0x7b: {  	_ =	shalt  }
0x7c: {  	_ =	shalt  }
0x7d: {  	_ =	shalt  }
0x7e: {  	_ =	shalt  }
0x7f: {  	_ =	shalt  }
0x80: {  	_ =	shalt  }
0x81: {  	_ =	shalt  }
0x82: {  	_ =	shalt  }
0x83: {  	_ =	shalt  }
0x84: {  	_ =	shalt  }
0x85: {  	_ =	shalt  }
0x86: {  	_ =	shalt  }
0x87: {  	_ =	shalt  }
.Lfunc_end0:
.L_simem_size_0:
called_computation_lowered:
.L_overlay_start_0:
0x88: {  	s2 =	sld [smem:$0x3FD9]  }
0x89: {  	s3 =	sld [smem:$0x3FFE];
	_ =	sdelay $0x1  }
0x8a: {  	s1 =	srdreg.scid  }
0x8b: {  	s0 =	sand.u32 $0x1, s1  }
0x8c: {  	s17 =	sshll.u32 s0, $0xA;
	s2 =	sadd.s32 s3, s2  }
0x8d: {  	s2 =	sadd.s32 s2, s17  }
0x8e: {  	[smem:$0x3FC6] =	sst s2  }
0x8f: {  	_ = 	snop  }
0x90: {  	s2 =	sld [smem:$0x3FC8];
	(tm) =	ssettm $0x1  }
0x91: {  	s18 =	sld [smem:$0x3FFB];
	_ =	sdelay $0x3  }
0x92: {  	_ =	strace s18  }
0x93: {  	s3 =	sld [smem:$0x3FFC];
	_ =	sdelay $0x3  }
0x94: {  	_ =	strace s3  }
0x95: {  	s3 =	sld [smem:$0x3FFD];
	_ =	sdelay $0x3  }
0x96: {  	_ =	strace s3  }
0x97: {  	_ =	strace $0x8FFFFFFF  }
0x98: {  	s19 =	sld [smem:$0x3FDB];
	_ =	sdelay $0x1  }
0x99: {  	s4 =	simm.s32 $_scs_section_size  }
0x9a: {  	s5 =	simm.s32 $_size__tile_overlayer_lowered;
	s6 =	simm.s32 $_tile_overlayer_lowered  }
0x9b: {  	s22 =	simm.s32 $0x1BFF;
	s21 =	sshll.u32 s6, $0x1;
	s3 =	sadd.s32 s4, s19  }
0x9c: {  	s7 =	simm.s32 $0x0;
	s20 =	sshll.u32 s5, $0x1;
	s5 =	sadd.s32 s21, s3  }
0x9d: {  	[timem:s7], [sflag:s22] =	dma.local [hbm:s5], s20  }
0x9e: {  	_ =	swait.ge [sflag:s22], s20  }
0x9f: {  	s4 =	ssub.s32 $0x0, s20;
	[sflag:s22] =	ssyncset.done $0x0  }
0xa0: {  	[sflag:s22] =	ssyncadd.s32 s4;
	_ =	sdelay $0x1  }
0xa1: {  	s23 =	simm.s32 $0x1B8B  }
0xa2: {  	_ =	swait.ge [sflag:s23], $0x1  }
0xa3: {  	[sflag:s23] =	ssyncset.done $0x0  }
0xa4: {  	s25 =	simm.s32 $0x1B8E;
	s24 =	sld [smem:$0x3FFE];
	[sflag:s23] =	ssyncadd.s32 $0xFFFFFFFF  }
0xa5: {  	s26 =	simm.s32 $execute0_lowered;
	[smem:$0x3FD2] =	sst s25  }
0xa6: {  	s5 =	sshll.u32 s26, $0x1;
	_ =	strace $0x80000046;
	[dreg:$0x1] =	wrdreg $0xFFFFFFFF  }
0xa7: {  	s28 =	simm.s32 $_size_execute0_lowered;
	s3 =	sadd.s32 s3, s5;
	[dreg:$0x0] =	wrdreg $0x0  }
0xa8: {  	s5 =	sshll.u32 s28, $0x1;
	[dreg:$0x2] =	wrdreg s3  }
0xa9: {  	[dreg:$0x3] =	wrdreg s5  }
0xaa: {  	[dreg:$0x4] =	wrdreg $0xC0  }
0xab: {  	_ =	task [dreg:s7], $0x5FFFF  }
0xac: {  	[dreg:$0x1] =	wrdreg $0xFFFFFFFF  }
0xad: {  	[dreg:$0x0] =	wrdreg $0x60  }
0xae: {  	[dreg:$0x2] =	wrdreg s2  }
0xaf: {  	[dreg:$0x3] =	wrdreg s24  }
0xb0: {  	[dreg:$0x4] =	wrdreg $0x9  }
0xb1: {  	_ =	task.clear_ibuf [dreg:s7], $0x5FFFF;
	_ =	strace $0x90000046  }
0xb2: {  	s29 =	simm.s32 $0x9;
	_ =	strace $0x80000048  }
0xb3: {  	_ =	swait.ge [sflag:s29], $0x1  }
0xb4: {  	[sflag:s29] =	ssyncadd.s32 $0xFFFFFFFF  }
0xb5: {  	_ =	strace $0x90000048  }
0xb6: {  	_ =	sfence  }
0xb7: {  	s30 =	sld [smem:$0x0];
	_ =	sdelay $0x2  }
0xb8: {  	s31 =	sshll.u32 s1, $0xD;
	s1 =	sshrl.u32 s1, $0x2  }
0xb9: {  	s3 =	sand.u32 $0x4000, s31;
	s1 =	sadd.s32 s1, s30  }
0xba: {  	s0 =	sor.u32 s3, s0;
	s1 =	sshll.u32 s1, $0x11  }
0xbb: {  	s0 =	sor.u32 s1, s0  }
0xbc: {  	s0 =	sadd.s32 $0x8F2B, s0  }
0xbd: {  	[sflag:s0] =	ssyncadd.remote.s32 $0x1  }
0xbe: {  	_ =	sfence.sel $0xFFFF  }
0xbf: {  	[dreg:$0x0] =	wrdreg $0xFFFFFFFF;
	(pc) =	sbr.abs _section_cstart, $3  }
0xc0: {  	[dreg:$0x1] =	wrdreg $0xFFFFFFFF  }
0xc1: {  	_ =	task.clear_ibuf [dreg:s7], $0x2FFFF;
	_ =	strace $0x9FFFFFFF  }
0xc2: {  	(tm) =	ssettm $0x7FFFFFFF  }
0xc3: {  	_ =	shalt  }
tec
execute0_lowered:
.L_overlay_start_1:
0x0: {  	(tag) =	ssettag $0x1  }
0x1: {  	s1 =	rddreg [dreg:$0x0]  }
0x2: {  	s0 =	rddreg [dreg:$0x1];
	s3 =	simm.s32 $0x0;
	s4 =	srdreg.scid  }
0x3: {  	s2 =	stileid.u32;
	s8 =	simm.s32 $0x1;
	s10 =	simm.s32 $0x1000  }
0x4: {  	s11 =	simm.s32 $0x7A1400;
	s12 =	simm.s32 $0x4000;
	s13 =	simm.s32 $0x8000  }
0x5: {  	s14 =	simm.s32 $0xC200;
	s15 =	simm.s32 $0x2;
	s16 =	simm.s32 $0x10200  }
0x6: {  	s17 =	simm.s32 $0x3;
	s18 =	simm.s32 $0x4;
	s21 =	simm.s32 $0x0  }
0x7: {  	[smem:$0x7FF] =	sst s3;
	s4 =	sand.u32 $0x1, s4;
	s5 =	sshll.u32 s2, $0x1  }
0x8: {  	_ =	strace $0x80000047;
	s6 =	ssub.s32 $0x2, s4;
	s4 =	sor.u32 s4, s5  }
0x9: {  	s5 =	simm.s32 $0x1;
	s7 =	smul.u32 $0x3D, s4;
	p0 =	sne.s32 s4, $0x0  }
0xa: {  	v0 =	vlaneseq.u32;
	s4 =	sadd.s32 $0xA00, s0;
	s31 =	sshrl.u32 s6, $0x1;
	s0 =	sadd.s32 $0x3D1200, s0  }
0xb: {  	v0 =	vmul.u32 $0x21, v0;
	s8 =	simm.s32 @!p0 $0x0;
	s9 =	ssub.s32 s6, s31;
	[dreg:$0x3] =	wrdreg s0  }
0xc: {  	s6 =	sadd.s32 s8, s7;
	s7 =	sadd.s32 $0xF4200, s1;
	s9 =	smax.u32 s9, $0x1  }
.LBB2_1:
0xd: {  	s22 =	simm.s32 $0x0  }
.LBB2_2:
0xe: {  	s0 =	sshll.u32 s22, $0x1  }
0xf: {  	s24 =	sadd.s32 s0, s6  }
0x10: {  	s0 =	sshll.u32 s24, $0x9  }
0x11: {  	s26 =	simm.s32 $0x0;
	s2 =	smin.u32 s24, $0x79F;
	s0 =	sand.u32 $0x1FFFFE00, s0  }
0x12: {  	s25 =	simm.s32 $0x0;
	s23 =	sadd.s32 $0x1, s2;
	s0 =	sadd.s32 s1, s0  }
0x13: {  	[tilespmem:s26], [sflag:$0x1] =	stream.strided.gather [hbm4b:s0+s10], $0x4000, s11, s10, $0x38;
	[tilespmem:$0x14200] =	vst v63  }
0x14: {  	s8 =	simm.s32 $0x0;
	s28 =	simm.s32 $0x0;
	s0 =	sshll.u32 s23, $0x9  }
0x15: {  	s30 =	simm.s32 $0x0;
	s29 =	sand.u32 $0x18, s25;
	s0 =	sadd.s32 s1, s0  }
0x16: {  	[tilespmem:s12], [sflag:$0x2] =	stream.strided.gather [hbm4b:s0+s10], $0x4000, s11, s10, $0x38;
	[tilespmem:$0x14200] =	vst v63  }
0x17: {  	s28 =	sand.u32 $0xC00, s28;
	s26 =	sand.u32 $0x3000, s26;
	s0 =	smul.u32 $0x210, s8  }
0x18: {  	s30 =	sand.u32 $0x70, s30;
	s26 =	sor.u32 s28, s26;
	_ =	swait.ge [sflag:s5], $0x4000  }
0x19: {  	s31 =	sor.u32 s30, s26;
	[sflag:s5] =	ssyncset.done $0x0;
	s0 =	sadd.s32 s29, s0  }
0x1a: {  	s29 =	sshll.u32 s29, $0x9;
	[sflag:s5] =	ssyncadd.s32 $0xFFFFC000;
	s19 =	sor.u32 $0x7, s0  }
0x1b: {  	s28 =	sor.u32 s28, s29;
	s29 =	sor.u32 $0x1, s0;
	v1 =	vld [tilespmem:s31+$0x380];
	v2 =	vadd.s32 s19, v0  }
0x1c: {  	s20 =	sor.u32 s30, s28;
	v3 =	vld [tilespmem:s31+$0x80];
	v4 =	vadd.s32 s29, v0  }
0x1d: {  	s26 =	simm.s32 $0x8;
	v5 =	vadd.s32 s0, v0;
	s2 =	sor.u32 $0x5, s0;
	v6 =	vld [tilespmem:s20+$0x0]  }
0x1e: {  	s28 =	sor.u32 $0x2, s0;
	s29 =	sor.u32 $0x3, s0;
	s30 =	sor.u32 $0x4, s0;
	v13 =	vadd.s32 s2, v0;
	v14 =	vld [tilespmem:s31+$0x280]  }
0x1f: {  	s0 =	sor.u32 $0x6, s0;
	v8 =	vld [tilespmem:s31+$0x100];
	s2 =	sand.u32 $0x18, s26;
	v7 =	vadd.s32 s28, v0;
	v9 =	vadd.s32 s29, v0;
	s29 =	simm.s32 $0x0  }
0x20: {  	v10 =	vld [tilespmem:s31+$0x180];
	s28 =	simm.s32 $0x1000;
	v11 =	vadd.s32 s30, v0;
	s30 =	simm.s32 $0x20;
	s29 =	smul.u32 $0x210, s29;
	[tilespmem:v2+s13+$0x0] =	vst.idx.msk $0xffff, v1  }
0x21: {  	v12 =	vld [tilespmem:s31+$0x200];
	s20 =	simm.s32 $0x4;
	s19 =	sand.u32 $0x3000, s28;
	s30 =	sand.u32 $0xC00, s30;
	[tilespmem:v4+s13+$0x0] =	vst.idx.msk $0xffff, v3  }
0x22: {  	s20 =	sand.u32 $0x70, s20;
	s19 =	sor.u32 s30, s19;
	s8 =	sadd.s32 s2, s29;
	v1 =	vadd.s32 s0, v0;
	[tilespmem:v5+s13+$0x0] =	vst.idx.msk $0xffff, v6;
	v6 =	vld [tilespmem:s31+$0x300]  }
0x23: {  	s2 =	sshll.u32 s2, $0x9;
	s29 =	sor.u32 s20, s19;
	s19 =	sor.u32 $0x7, s8;
	[tilespmem:v13+s13+$0x0] =	vst.idx.msk $0xffff, v14  }
0x24: {  	v2 =	vadd.s32 s8, v0;
	s0 =	sor.u32 s30, s2;
	s30 =	sor.u32 $0x2, s8;
	[tilespmem:v7+s13+$0x0] =	vst.idx.msk $0xffff, v8;
	s31 =	sor.u32 $0x1, s8;
	v7 =	vld [tilespmem:s29+$0x380];
	v8 =	vadd.s32 s19, v0  }
0x25: {  	[tilespmem:v9+s13+$0x0] =	vst.idx.msk $0xffff, v10;
	s0 =	sor.u32 s20, s0;
	v9 =	vld [tilespmem:s29+$0x80];
	v4 =	vadd.s32 s30, v0;
	s20 =	sor.u32 $0x3, s8;
	v10 =	vadd.s32 s31, v0;
	s31 =	sor.u32 $0x4, s8  }
0x26: {  	[tilespmem:v11+s13+$0x0] =	vst.idx.msk $0xffff, v12;
	s30 =	sor.u32 $0x6, s8;
	v11 =	vld [tilespmem:s0+$0x0];
	v5 =	vadd.s32 s20, v0;
	s0 =	sor.u32 $0x5, s8;
	v3 =	vadd.s32 s31, v0  }
.LBB2_3:
0x27: {  	s26 =	sadd.s32 $0x8, s26;
	v12 =	vld [tilespmem:s29+$0x100];
	v13 =	vadd.s32 s0, v0;
	[tilespmem:v1+s13+$0x0] =	vst.idx.msk $0xffff, v6;
	v1 =	vadd.s32 s30, v0;
	s28 =	sadd.s32 $0x1000, s28  }
0x28: {  	s0 =	sshrl.u32 s26, $0x5;
	p0 =	slt.u32 s26, $0x3F8;
	v14 =	vld [tilespmem:s29+$0x180];
	s2 =	sshll.u32 s26, $0x2  }
0x29: {  	s8 =	sand.u32 $0x3000, s28;
	s20 =	sshrl.u32 s26, $0x1;
	s0 =	smul.u32 $0x210, s0;
	v15 =	vld [tilespmem:s29+$0x200];
	[tilespmem:v8+s13+$0x0] =	vst.idx.msk $0xffff, v7  }
0x2a: {  	s19 =	sand.u32 $0x18, s26;
	s2 =	sand.u32 $0xC00, s2;
	s20 =	sand.u32 $0x70, s20;
	[tilespmem:v10+s13+$0x0] =	vst.idx.msk $0xffff, v9;
	v16 =	vld [tilespmem:s29+$0x280]  }
.Ltmp0:
0x2b: {  	s30 =	sadd.s32 s19, s0;
	s0 =	sor.u32 s2, s8;
	[tilespmem:v2+s13+$0x0] =	vst.idx.msk $0xffff, v11;
	v6 =	vld [tilespmem:s29+$0x300];
	(pc) =	sbr.rel @p0 .LBB2_3-.Ltmp0, $4  }
0x2c: {  	s8 =	sshll.u32 s19, $0x9;
	v2 =	vadd.s32 s30, v0;
	s29 =	sor.u32 s20, s0;
	s0 =	sor.u32 $0x7, s30;
	[tilespmem:v4+s13+$0x0] =	vst.idx.msk $0xffff, v12  }
0x2d: {  	s2 =	sor.u32 s2, s8;
	s8 =	sor.u32 $0x1, s30;
	s19 =	sor.u32 $0x2, s30;
	v7 =	vld [tilespmem:s29+$0x380];
	v8 =	vadd.s32 s0, v0;
	[tilespmem:v5+s13+$0x0] =	vst.idx.msk $0xffff, v14  }
0x2e: {  	s0 =	sor.u32 s20, s2;
	v10 =	vadd.s32 s8, v0;
	v4 =	vadd.s32 s19, v0;
	s2 =	sor.u32 $0x3, s30;
	s8 =	sor.u32 $0x4, s30;
	v9 =	vld [tilespmem:s29+$0x80];
	[tilespmem:v3+s13+$0x0] =	vst.idx.msk $0xffff, v15  }
0x2f: {  	v5 =	vadd.s32 s2, v0;
	v3 =	vadd.s32 s8, v0;
	v11 =	vld [tilespmem:s0+$0x0];
	s0 =	sor.u32 $0x5, s30;
	s30 =	sor.u32 $0x6, s30;
	[tilespmem:v13+s13+$0x0] =	vst.idx.msk $0xffff, v16  }
0x30: {  	_ =	sdelay $0x2  }
0x31: {  	v12 =	vld [tilespmem:s29+$0x100]  }
0x32: {  	[tilespmem:v1+s13+$0x0] =	vst.idx.msk $0xffff, v6;
	v1 =	vld [tilespmem:s29+$0x180]  }
0x33: {  	v6 =	vld [tilespmem:s29+$0x200];
	[tilespmem:v8+s13+$0x0] =	vst.idx.msk $0xffff, v7  }
0x34: {  	v62 =	vld [tilespmem:s29+$0x280];
	v7 =	vadd.s32 s0, v0;
	[tilespmem:v10+s13+$0x0] =	vst.idx.msk $0xffff, v9  }
0x35: {  	v63 =	vadd.s32 s30, v0;
	[tilespmem:v2+s13+$0x0] =	vst.idx.msk $0xffff, v11;
	v2 =	vld [tilespmem:s29+$0x300]  }
0x36: {  	[tilespmem:v4+s13+$0x0] =	vst.idx.msk $0xffff, v12  }
0x37: {  	[tilespmem:v5+s13+$0x0] =	vst.idx.msk $0xffff, v1  }
0x38: {  	[tilespmem:v3+s13+$0x0] =	vst.idx.msk $0xffff, v6  }
0x39: {  	[tilespmem:v7+s13+$0x0] =	vst.idx.msk $0xffff, v62  }
0x3a: {  	s31 =	simm.s32 $0x8042;
	[tilespmem:v63+s13+$0x0] =	vst.idx.msk $0xffff, v2  }
0x3b: {  	v4 =	vld [tilespmem:s31+$0x31]  }
0x3c: {  	v5 =	vld [tilespmem:s31+$0xFFFFFFCE]  }
0x3d: {  	v6 =	vld [tilespmem:s31+$0xFFFFFFDF]  }
0x3e: {  	v1 =	vld [tilespmem:s31+$0xFFFFFFEF]  }
0x3f: {  	s26 =	simm.s32 $0xC240;
	v2 =	vld [tilespmem:s31+$0x0]  }
0x40: {  	v3 =	vld [tilespmem:s31+$0x10];
	[tilespmem:s26+$0x30] =	vst v4  }
0x41: {  	[tilespmem:s26+$0xFFFFFFD0] =	vst v5;
	v5 =	vld [tilespmem:s31+$0x21]  }
0x42: {  	s28 =	simm.s32 $0x80C6;
	v4 =	vld [tilespmem:s31+$0xFFFFFFBE];
	[tilespmem:s26+$0xFFFFFFE0] =	vst v6  }
.LBB2_5:
0x43: {  	v6 =	vld [tilespmem:s28+$0x31];
	s25 =	sadd.s32 $0x8, s25;
	[tilespmem:s26+$0xFFFFFFF0] =	vst v1  }
0x44: {  	v7 =	vld [tilespmem:s28+$0xFFFFFFCE];
	p0 =	slt.u32 s25, $0x3F8;
	[tilespmem:s26+$0x0] =	vst v2  }
0x45: {  	v8 =	vld [tilespmem:s28+$0xFFFFFFDF];
	[tilespmem:s26+$0x10] =	vst v3  }
.Ltmp1:
0x46: {  	v1 =	vld [tilespmem:s28+$0xFFFFFFEF];
	[tilespmem:s26+$0x20] =	vst v5;
	(pc) =	sbr.rel @p0 .LBB2_5-.Ltmp1, $4  }
0x47: {  	v2 =	vld [tilespmem:s28+$0x0];
	[tilespmem:s26+$0xFFFFFFC0] =	vst v4;
	s26 =	sadd.s32 $0x80, s26  }
0x48: {  	v3 =	vld [tilespmem:s28+$0x10];
	[tilespmem:s26+$0x30] =	vst v6  }
0x49: {  	[tilespmem:s26+$0xFFFFFFD0] =	vst v7;
	v5 =	vld [tilespmem:s28+$0x21]  }
0x4a: {  	v4 =	vld [tilespmem:s28+$0xFFFFFFBE];
	[tilespmem:s26+$0xFFFFFFE0] =	vst v8;
	s28 =	sadd.s32 $0x84, s28  }
0x4b: {  	[tilespmem:s26+$0xFFFFFFF0] =	vst v1  }
0x4c: {  	[tilespmem:s26+$0x0] =	vst v2  }
0x4d: {  	s0 =	sshll.u32 s24, $0xB;
	s2 =	simm.s32 $0x0;
	s24 =	simm.s32 $0x0;
	[tilespmem:s26+$0x10] =	vst v3  }
0x4e: {  	s30 =	simm.s32 $0x0;
	s8 =	simm.s32 $0x0;
	s0 =	sand.u32 $0x1FFFF800, s0;
	[tilespmem:s26+$0x20] =	vst v5  }
0x4f: {  	s20 =	simm.s32 $0x0;
	s19 =	sand.u32 $0x18, s24;
	s0 =	sadd.s32 s4, s0;
	[tilespmem:s26+$0xFFFFFFC0] =	vst v4  }
0x50: {  	[hbm4b:s0+s2] =	stream.linear.scatter [tilespmem:s14], [sflag:$0x3], $0x4000, $0x38;
	[tilespmem:$0x14200] =	vst v63  }
0x51: {  	s8 =	sand.u32 $0xC00, s8;
	s0 =	smul.u32 $0x210, s30;
	s2 =	sand.u32 $0x3000, s2  }
0x52: {  	s20 =	sand.u32 $0x70, s20;
	_ =	swait.ge [sflag:s15], $0x4000;
	s2 =	sor.u32 s8, s2  }
0x53: {  	[sflag:s15] =	ssyncset.done $0x0;
	s0 =	sadd.s32 s19, s0;
	s19 =	sshll.u32 s19, $0x9  }
0x54: {  	s2 =	sor.u32 s20, s2;
	[sflag:s15] =	ssyncadd.s32 $0xFFFFC000;
	s25 =	sor.u32 $0x7, s0  }
0x55: {  	s8 =	sor.u32 s8, s19;
	s31 =	sor.u32 $0x1, s0;
	v1 =	vld [tilespmem:s2+$0x4380];
	v2 =	vadd.s32 s25, v0  }
0x56: {  	s8 =	sor.u32 s20, s8;
	v3 =	vld [tilespmem:s2+$0x4080];
	v4 =	vadd.s32 s31, v0  }
0x57: {  	s29 =	simm.s32 $0x4;
	v5 =	vadd.s32 s0, v0;
	s26 =	sor.u32 $0x3, s0;
	v6 =	vld [tilespmem:s8+$0x4000]  }
0x58: {  	s30 =	sor.u32 $0x4, s0;
	s19 =	sor.u32 $0x5, s0;
	s25 =	sor.u32 $0x2, s0;
	v9 =	vadd.s32 s26, v0;
	v10 =	vld [tilespmem:s2+$0x4180]  }
0x59: {  	s0 =	sor.u32 $0x6, s0;
	v8 =	vld [tilespmem:s2+$0x4100];
	s31 =	simm.s32 $0x0;
	s26 =	simm.s32 $0x1000;
	v7 =	vadd.s32 s25, v0  }
0x5a: {  	v11 =	vadd.s32 s30, v0;
	s30 =	simm.s32 $0x20;
	v12 =	vld [tilespmem:s2+$0x4200];
	s25 =	simm.s32 $0x8;
	s20 =	smul.u32 $0x210, s31;
	[tilespmem:v2+s13+$0x0] =	vst.idx.msk $0xffff, v1  }
0x5b: {  	v13 =	vadd.s32 s19, v0;
	v14 =	vld [tilespmem:s2+$0x4280];
	s28 =	sand.u32 $0x3000, s26;
	s8 =	sand.u32 $0xC00, s30;
	s31 =	sand.u32 $0x18, s25;
	[tilespmem:v4+s13+$0x0] =	vst.idx.msk $0xffff, v3  }
0x5c: {  	s29 =	sand.u32 $0x70, s29;
	s28 =	sor.u32 s8, s28;
	s20 =	sadd.s32 s31, s20;
	v1 =	vadd.s32 s0, v0;
	[tilespmem:v5+s13+$0x0] =	vst.idx.msk $0xffff, v6;
	v6 =	vld [tilespmem:s2+$0x4300]  }
0x5d: {  	s28 =	sor.u32 s29, s28;
	s19 =	sor.u32 $0x7, s20;
	[tilespmem:v9+s13+$0x0] =	vst.idx.msk $0xffff, v10;
	s2 =	sshll.u32 s31, $0x9  }
0x5e: {  	s30 =	sor.u32 $0x1, s20;
	v2 =	vadd.s32 s20, v0;
	[tilespmem:v7+s13+$0x0] =	vst.idx.msk $0xffff, v8;
	s31 =	sor.u32 $0x2, s20;
	v7 =	vld [tilespmem:s28+$0x4380];
	v8 =	vadd.s32 s19, v0;
	s0 =	sor.u32 s8, s2  }
0x5f: {  	v9 =	vld [tilespmem:s28+$0x4080];
	v10 =	vadd.s32 s30, v0;
	s30 =	sor.u32 $0x3, s20;
	[tilespmem:v11+s13+$0x0] =	vst.idx.msk $0xffff, v12;
	v4 =	vadd.s32 s31, v0;
	s31 =	sor.u32 $0x4, s20;
	s0 =	sor.u32 s29, s0  }
0x60: {  	[tilespmem:v13+s13+$0x0] =	vst.idx.msk $0xffff, v14;
	v5 =	vadd.s32 s30, v0;
	v3 =	vadd.s32 s31, v0;
	s29 =	sor.u32 $0x6, s20;
	v11 =	vld [tilespmem:s0+$0x4000];
	s0 =	sor.u32 $0x5, s20  }
.LBB2_7:
0x61: {  	s25 =	sadd.s32 $0x8, s25;
	v12 =	vld [tilespmem:s28+$0x4100];
	v13 =	vadd.s32 s0, v0;
	[tilespmem:v1+s13+$0x0] =	vst.idx.msk $0xffff, v6;
	v1 =	vadd.s32 s29, v0;
	s26 =	sadd.s32 $0x1000, s26  }
0x62: {  	s0 =	sshrl.u32 s25, $0x5;
	p0 =	slt.u32 s25, $0x3F8;
	v14 =	vld [tilespmem:s28+$0x4180];
	s2 =	sshll.u32 s25, $0x2  }
0x63: {  	s8 =	sand.u32 $0x3000, s26;
	s20 =	sshrl.u32 s25, $0x1;
	s0 =	smul.u32 $0x210, s0;
	v15 =	vld [tilespmem:s28+$0x4200];
	[tilespmem:v8+s13+$0x0] =	vst.idx.msk $0xffff, v7  }
0x64: {  	s19 =	sand.u32 $0x18, s25;
	s2 =	sand.u32 $0xC00, s2;
	s20 =	sand.u32 $0x70, s20;
	[tilespmem:v10+s13+$0x0] =	vst.idx.msk $0xffff, v9;
	v16 =	vld [tilespmem:s28+$0x4280]  }
.Ltmp2:
0x65: {  	s29 =	sadd.s32 s19, s0;
	s0 =	sor.u32 s2, s8;
	[tilespmem:v2+s13+$0x0] =	vst.idx.msk $0xffff, v11;
	v6 =	vld [tilespmem:s28+$0x4300];
	(pc) =	sbr.rel @p0 .LBB2_7-.Ltmp2, $4  }
0x66: {  	s8 =	sshll.u32 s19, $0x9;
	v2 =	vadd.s32 s29, v0;
	s28 =	sor.u32 s20, s0;
	s0 =	sor.u32 $0x7, s29;
	[tilespmem:v4+s13+$0x0] =	vst.idx.msk $0xffff, v12  }
0x67: {  	s2 =	sor.u32 s2, s8;
	s8 =	sor.u32 $0x1, s29;
	s19 =	sor.u32 $0x2, s29;
	v7 =	vld [tilespmem:s28+$0x4380];
	v8 =	vadd.s32 s0, v0;
	[tilespmem:v5+s13+$0x0] =	vst.idx.msk $0xffff, v14  }
0x68: {  	s0 =	sor.u32 s20, s2;
	v10 =	vadd.s32 s8, v0;
	v4 =	vadd.s32 s19, v0;
	s2 =	sor.u32 $0x3, s29;
	s8 =	sor.u32 $0x4, s29;
	v9 =	vld [tilespmem:s28+$0x4080];
	[tilespmem:v3+s13+$0x0] =	vst.idx.msk $0xffff, v15  }
0x69: {  	v5 =	vadd.s32 s2, v0;
	v3 =	vadd.s32 s8, v0;
	v11 =	vld [tilespmem:s0+$0x4000];
	s0 =	sor.u32 $0x5, s29;
	s29 =	sor.u32 $0x6, s29;
	[tilespmem:v13+s13+$0x0] =	vst.idx.msk $0xffff, v16  }
0x6a: {  	_ =	sdelay $0x2  }
0x6b: {  	v12 =	vld [tilespmem:s28+$0x4100]  }
0x6c: {  	[tilespmem:v1+s13+$0x0] =	vst.idx.msk $0xffff, v6;
	v1 =	vld [tilespmem:s28+$0x4180]  }
0x6d: {  	v6 =	vld [tilespmem:s28+$0x4200];
	[tilespmem:v8+s13+$0x0] =	vst.idx.msk $0xffff, v7  }
0x6e: {  	v62 =	vld [tilespmem:s28+$0x4280];
	v7 =	vadd.s32 s0, v0;
	[tilespmem:v10+s13+$0x0] =	vst.idx.msk $0xffff, v9  }
0x6f: {  	v63 =	vadd.s32 s29, v0;
	[tilespmem:v2+s13+$0x0] =	vst.idx.msk $0xffff, v11;
	v2 =	vld [tilespmem:s28+$0x4300]  }
0x70: {  	[tilespmem:v4+s13+$0x0] =	vst.idx.msk $0xffff, v12  }
0x71: {  	[tilespmem:v5+s13+$0x0] =	vst.idx.msk $0xffff, v1  }
0x72: {  	[tilespmem:v3+s13+$0x0] =	vst.idx.msk $0xffff, v6  }
0x73: {  	[tilespmem:v7+s13+$0x0] =	vst.idx.msk $0xffff, v62  }
0x74: {  	s31 =	simm.s32 $0x8042;
	[tilespmem:v63+s13+$0x0] =	vst.idx.msk $0xffff, v2  }
0x75: {  	v4 =	vld [tilespmem:s31+$0x31]  }
0x76: {  	v5 =	vld [tilespmem:s31+$0xFFFFFFCE]  }
0x77: {  	v6 =	vld [tilespmem:s31+$0xFFFFFFDF]  }
0x78: {  	v1 =	vld [tilespmem:s31+$0xFFFFFFEF]  }
0x79: {  	s25 =	simm.s32 $0x10240;
	v2 =	vld [tilespmem:s31+$0x0]  }
0x7a: {  	v3 =	vld [tilespmem:s31+$0x10];
	[tilespmem:s25+$0x30] =	vst v4  }
0x7b: {  	[tilespmem:s25+$0xFFFFFFD0] =	vst v5;
	v5 =	vld [tilespmem:s31+$0x21]  }
0x7c: {  	s26 =	simm.s32 $0x80C6;
	v4 =	vld [tilespmem:s31+$0xFFFFFFBE];
	[tilespmem:s25+$0xFFFFFFE0] =	vst v6  }
.LBB2_9:
0x7d: {  	v6 =	vld [tilespmem:s26+$0x31];
	s24 =	sadd.s32 $0x8, s24;
	[tilespmem:s25+$0xFFFFFFF0] =	vst v1  }
0x7e: {  	v7 =	vld [tilespmem:s26+$0xFFFFFFCE];
	p0 =	slt.u32 s24, $0x3F8;
	[tilespmem:s25+$0x0] =	vst v2  }
0x7f: {  	v8 =	vld [tilespmem:s26+$0xFFFFFFDF];
	[tilespmem:s25+$0x10] =	vst v3  }
.Ltmp3:
0x80: {  	v1 =	vld [tilespmem:s26+$0xFFFFFFEF];
	[tilespmem:s25+$0x20] =	vst v5;
	(pc) =	sbr.rel @p0 .LBB2_9-.Ltmp3, $4  }
0x81: {  	v2 =	vld [tilespmem:s26+$0x0];
	[tilespmem:s25+$0xFFFFFFC0] =	vst v4;
	s25 =	sadd.s32 $0x80, s25  }
0x82: {  	v3 =	vld [tilespmem:s26+$0x10];
	[tilespmem:s25+$0x30] =	vst v6  }
0x83: {  	[tilespmem:s25+$0xFFFFFFD0] =	vst v7;
	v5 =	vld [tilespmem:s26+$0x21]  }
0x84: {  	v4 =	vld [tilespmem:s26+$0xFFFFFFBE];
	[tilespmem:s25+$0xFFFFFFE0] =	vst v8;
	s26 =	sadd.s32 $0x84, s26  }
0x85: {  	[tilespmem:s25+$0xFFFFFFF0] =	vst v1  }
0x86: {  	[tilespmem:s25+$0x0] =	vst v2  }
0x87: {  	[tilespmem:s25+$0x10] =	vst v3  }
0x88: {  	s0 =	sshll.u32 s23, $0xB;
	[tilespmem:s25+$0x20] =	vst v5  }
0x89: {  	s22 =	sadd.s32 $0x1, s22;
	s0 =	sadd.s32 s4, s0;
	[tilespmem:s25+$0xFFFFFFC0] =	vst v4  }
0x8a: {  	[hbm4b:s0+s3] =	stream.linear.scatter [tilespmem:s16], [sflag:$0x4], $0x4000, $0x38;
	[tilespmem:$0x14200] =	vst v63  }
0x8b: {  	p0 =	sne.s32 s22, $0x1F;
	_ =	swait.ge [sflag:s17], $0x4000  }
.Ltmp4:
0x8c: {  	[sflag:s17] =	ssyncset.done $0x0;
	(pc) =	sbr.rel @p0 .LBB2_2-.Ltmp4, $4  }
0x8d: {  	[sflag:s17] =	ssyncadd.s32 $0xFFFFC000  }
0x8e: {  	_ =	swait.ge [sflag:s18], $0x4000  }
0x8f: {  	[sflag:s18] =	ssyncset.done $0x0  }
0x90: {  	[sflag:s18] =	ssyncadd.s32 $0xFFFFC000  }
0x91: {  	s0 =	simm.s32 $0x0  }
0x92: {  	[tilespmem:s0], [sflag:$0x1] =	stream.linear.gather [hbm4b:s7+s0], $0x400, $0x38;
	[tilespmem:$0x14200] =	vst v63  }
0x93: {  	s2 =	sadd.s32 $0xF4280, s7;
	s19 =	sadd.s32 $0x1E8500, s7  }
0x94: {  	[tilespmem:s10], [sflag:$0x1] =	stream.linear.gather [hbm4b:s2+s0], $0x400, $0x38;
	[tilespmem:$0x14200] =	vst v63  }
0x95: {  	s8 =	simm.s32 $0x2000;
	s20 =	sadd.s32 $0x2DC780, s7  }
0x96: {  	[tilespmem:s8], [sflag:$0x1] =	stream.linear.gather [hbm4b:s19+s0], $0x400, $0x38;
	[tilespmem:$0x14200] =	vst v63  }
0x97: {  	s22 =	simm.s32 $0x3000;
	s23 =	simm.s32 $0x0;
	s24 =	simm.s32 $0x0  }
0x98: {  	[tilespmem:s22], [sflag:$0x1] =	stream.linear.gather [hbm4b:s20+s0], $0x400, $0x38;
	[tilespmem:$0x14200] =	vst v63  }
0x99: {  	s2 =	smul.u32 $0x210, s23;
	s8 =	sand.u32 $0x3FFFFFF0, s24;
	_ =	swait.ge [sflag:s5], $0x1000  }
0x9a: {  	s22 =	simm.s32 $0x0;
	s0 =	sand.u32 $0x3000, s0;
	[sflag:s5] =	ssyncset.done $0x0  }
0x9b: {  	s19 =	sand.u32 $0x18, s22;
	s0 =	sadd.s32 s8, s0;
	[sflag:s5] =	ssyncadd.s32 $0xFFFFF000  }
0x9c: {  	s2 =	sadd.s32 s19, s2;
	v5 =	vld [tilespmem:s0+$0x100]  }
0x9d: {  	s23 =	sor.u32 $0x2, s2;
	v8 =	vld [tilespmem:s0+$0x200]  }
0x9e: {  	s19 =	sshll.u32 s19, $0x9;
	s20 =	sor.u32 $0x1, s2;
	v3 =	vld [tilespmem:s0+$0x80];
	v7 =	vadd.s32 s23, v0  }
0x9f: {  	s25 =	sor.u32 $0x4, s2;
	s24 =	sor.u32 $0x6, s2;
	s26 =	sor.u32 $0x5, s2;
	v6 =	vadd.s32 s20, v0;
	v9 =	vld [tilespmem:s0+$0x300]  }
0xa0: {  	s8 =	sadd.s32 s8, s19;
	s19 =	simm.s32 $0x0;
	s28 =	sor.u32 $0x7, s2;
	v10 =	vadd.s32 s24, v0;
	v1 =	vld [tilespmem:s0+$0x380]  }
0xa1: {  	s23 =	simm.s32 $0x8;
	s24 =	simm.s32 $0x4;
	v2 =	vld [tilespmem:s0+$0x180];
	v12 =	vadd.s32 s25, v0;
	s25 =	simm.s32 $0x1000  }
0xa2: {  	v14 =	vadd.s32 s26, v0;
	s19 =	smul.u32 $0x210, s19;
	v15 =	vld [tilespmem:s0+$0x280];
	s20 =	sand.u32 $0x3FFFFFF0, s24;
	s26 =	sand.u32 $0x3000, s25  }
0xa3: {  	v4 =	vld [tilespmem:s8+$0x0];
	s8 =	sor.u32 $0x3, s2;
	s0 =	sand.u32 $0x18, s23;
	s26 =	sadd.s32 s20, s26;
	[tilespmem:v7+s13+$0x0] =	vst.idx.msk $0xffff, v5;
	v5 =	vadd.s32 s28, v0  }
0xa4: {  	v13 =	vadd.s32 s8, v0;
	s24 =	sadd.s32 s0, s19;
	[tilespmem:v6+s13+$0x0] =	vst.idx.msk $0xffff, v3;
	v3 =	vld [tilespmem:s26+$0x100]  }
0xa5: {  	s0 =	sshll.u32 s0, $0x9;
	s19 =	sor.u32 $0x2, s24;
	v6 =	vadd.s32 s2, v0;
	s2 =	sor.u32 $0x1, s24;
	v7 =	vld [tilespmem:s26+$0x200];
	[tilespmem:v10+s13+$0x0] =	vst.idx.msk $0xffff, v9  }
0xa6: {  	s30 =	sor.u32 $0x4, s24;
	s8 =	sor.u32 $0x6, s24;
	s31 =	sor.u32 $0x5, s24;
	v10 =	vld [tilespmem:s26+$0x80];
	[tilespmem:v12+s13+$0x0] =	vst.idx.msk $0xffff, v8;
	v11 =	vadd.s32 s2, v0  }
0xa7: {  	s29 =	sadd.s32 s20, s0;
	s0 =	sor.u32 $0x7, s24;
	s28 =	sor.u32 $0x3, s24;
	v12 =	vadd.s32 s19, v0;
	v8 =	vld [tilespmem:s26+$0x300];
	v9 =	vadd.s32 s8, v0;
	[tilespmem:v14+s13+$0x0] =	vst.idx.msk $0xffff, v15  }
.LBB2_12:
0xa8: {  	s23 =	sadd.s32 $0x8, s23;
	v14 =	vadd.s32 s31, v0;
	[tilespmem:v5+s13+$0x0] =	vst.idx.msk $0xffff, v1;
	v5 =	vadd.s32 s0, v0;
	v1 =	vld [tilespmem:s26+$0x380];
	s25 =	sadd.s32 $0x1000, s25  }
0xa9: {  	v15 =	vadd.s32 s30, v0;
	s0 =	sshrl.u32 s23, $0x5;
	s2 =	sshrl.u32 s23, $0x1;
	[tilespmem:v13+s13+$0x0] =	vst.idx.msk $0xffff, v2;
	v2 =	vld [tilespmem:s26+$0x180];
	s8 =	sand.u32 $0x3000, s25  }
0xaa: {  	p0 =	slt.u32 s23, $0xF8;
	s2 =	sand.u32 $0x3FFFFFF0, s2;
	s0 =	smul.u32 $0x210, s0;
	v16 =	vld [tilespmem:s26+$0x280];
	[tilespmem:v6+s13+$0x0] =	vst.idx.msk $0xffff, v4;
	v17 =	vmov v7  }
.Ltmp5:
0xab: {  	s19 =	sand.u32 $0x18, s23;
	s26 =	sadd.s32 s2, s8;
	v4 =	vld [tilespmem:s29+$0x0];
	[tilespmem:v11+s13+$0x0] =	vst.idx.msk $0xffff, v10;
	(pc) =	sbr.rel @p0 .LBB2_12-.Ltmp5, $4  }
0xac: {  	v13 =	vadd.s32 s28, v0;
	v6 =	vadd.s32 s24, v0;
	s8 =	sshll.u32 s19, $0x9;
	s24 =	sadd.s32 s19, s0;
	[tilespmem:v12+s13+$0x0] =	vst.idx.msk $0xffff, v3;
	v3 =	vld [tilespmem:s26+$0x100]  }
0xad: {  	s0 =	sor.u32 $0x1, s24;
	s19 =	sor.u32 $0x2, s24;
	s28 =	sor.u32 $0x3, s24;
	v7 =	vld [tilespmem:s26+$0x200];
	[tilespmem:v9+s13+$0x0] =	vst.idx.msk $0xffff, v8  }
0xae: {  	s30 =	sor.u32 $0x4, s24;
	s31 =	sor.u32 $0x5, s24;
	v10 =	vld [tilespmem:s26+$0x80];
	v11 =	vadd.s32 s0, v0;
	s0 =	sor.u32 $0x6, s24;
	[tilespmem:v15+s13+$0x0] =	vst.idx.msk $0xffff, v17  }
0xaf: {  	s29 =	sadd.s32 s2, s8;
	v12 =	vadd.s32 s19, v0;
	v8 =	vld [tilespmem:s26+$0x300];
	v9 =	vadd.s32 s0, v0;
	s0 =	sor.u32 $0x7, s24;
	[tilespmem:v14+s13+$0x0] =	vst.idx.msk $0xffff, v16  }
0xb0: {  	_ =	sdelay $0x3  }
0xb1: {  	[tilespmem:v5+s13+$0x0] =	vst.idx.msk $0xffff, v1  }
0xb2: {  	v1 =	vadd.s32 s30, v0;
	[tilespmem:v13+s13+$0x0] =	vst.idx.msk $0xffff, v2  }
0xb3: {  	v2 =	vadd.s32 s31, v0;
	v5 =	vld [tilespmem:s26+$0x280];
	[tilespmem:v6+s13+$0x0] =	vst.idx.msk $0xffff, v4  }
0xb4: {  	v4 =	vld [tilespmem:s26+$0x380];
	v6 =	vadd.s32 s0, v0;
	[tilespmem:v12+s13+$0x0] =	vst.idx.msk $0xffff, v3  }
0xb5: {  	v62 =	vld [tilespmem:s29+$0x0];
	v63 =	vadd.s32 s24, v0;
	[tilespmem:v11+s13+$0x0] =	vst.idx.msk $0xffff, v10  }
0xb6: {  	v61 =	vld [tilespmem:s26+$0x180];
	v3 =	vadd.s32 s28, v0;
	[tilespmem:v9+s13+$0x0] =	vst.idx.msk $0xffff, v8  }
0xb7: {  	[tilespmem:v1+s13+$0x0] =	vst.idx.msk $0xffff, v7  }
0xb8: {  	[tilespmem:v2+s13+$0x0] =	vst.idx.msk $0xffff, v5  }
0xb9: {  	[tilespmem:v6+s13+$0x0] =	vst.idx.msk $0xffff, v4  }
0xba: {  	[tilespmem:v63+s13+$0x0] =	vst.idx.msk $0xffff, v62  }
0xbb: {  	s31 =	simm.s32 $0x8042;
	[tilespmem:v3+s13+$0x0] =	vst.idx.msk $0xffff, v61  }
0xbc: {  	v4 =	vld [tilespmem:s31+$0x31]  }
0xbd: {  	v5 =	vld [tilespmem:s31+$0xFFFFFFCE]  }
0xbe: {  	v6 =	vld [tilespmem:s31+$0xFFFFFFDF]  }
0xbf: {  	v1 =	vld [tilespmem:s31+$0xFFFFFFEF]  }
0xc0: {  	s23 =	simm.s32 $0xC240;
	v2 =	vld [tilespmem:s31+$0x0]  }
0xc1: {  	v3 =	vld [tilespmem:s31+$0x10];
	[tilespmem:s23+$0x30] =	vst v4  }
0xc2: {  	[tilespmem:s23+$0xFFFFFFD0] =	vst v5;
	v5 =	vld [tilespmem:s31+$0x21]  }
0xc3: {  	s24 =	simm.s32 $0x80C6;
	v4 =	vld [tilespmem:s31+$0xFFFFFFBE];
	[tilespmem:s23+$0xFFFFFFE0] =	vst v6  }
.LBB2_14:
0xc4: {  	v6 =	vld [tilespmem:s24+$0x31];
	s22 =	sadd.s32 $0x8, s22;
	[tilespmem:s23+$0xFFFFFFF0] =	vst v1  }
0xc5: {  	v7 =	vld [tilespmem:s24+$0xFFFFFFCE];
	p0 =	slt.u32 s22, $0xF8;
	[tilespmem:s23+$0x0] =	vst v2  }
0xc6: {  	v8 =	vld [tilespmem:s24+$0xFFFFFFDF];
	[tilespmem:s23+$0x10] =	vst v3  }
.Ltmp6:
0xc7: {  	v1 =	vld [tilespmem:s24+$0xFFFFFFEF];
	[tilespmem:s23+$0x20] =	vst v5;
	(pc) =	sbr.rel @p0 .LBB2_14-.Ltmp6, $4  }
0xc8: {  	v2 =	vld [tilespmem:s24+$0x0];
	[tilespmem:s23+$0xFFFFFFC0] =	vst v4;
	s23 =	sadd.s32 $0x80, s23  }
0xc9: {  	v3 =	vld [tilespmem:s24+$0x10];
	[tilespmem:s23+$0x30] =	vst v6  }
0xca: {  	[tilespmem:s23+$0xFFFFFFD0] =	vst v7;
	v5 =	vld [tilespmem:s24+$0x21]  }
0xcb: {  	v4 =	vld [tilespmem:s24+$0xFFFFFFBE];
	[tilespmem:s23+$0xFFFFFFE0] =	vst v8;
	s24 =	sadd.s32 $0x84, s24  }
0xcc: {  	[tilespmem:s23+$0xFFFFFFF0] =	vst v1  }
0xcd: {  	[tilespmem:s23+$0x0] =	vst v2  }
0xce: {  	[tilespmem:s23+$0x10] =	vst v3  }
0xcf: {  	s21 =	sadd.s32 $0x1, s21;
	[tilespmem:s23+$0x20] =	vst v5  }
0xd0: {  	p0 =	sne.s32 s21, s9;
	[tilespmem:s23+$0xFFFFFFC0] =	vst v4  }
.Ltmp7:
0xd1: {  	s0 =	rddreg [dreg:$0x3];
	(pc) =	sbr.rel @p0 .LBB2_1-.Ltmp7, $4  }
0xd2: {  	[hbm4b:s0+s3] =	stream.linear.scatter [tilespmem:s14], [sflag:$0x3], $0x800, $0x38;
	[tilespmem:$0x14200] =	vst v63  }
0xd3: {  	_ =	swait.ge [sflag:s17], $0x800  }
0xd4: {  	[sflag:s17] =	ssyncset.done $0x0  }
0xd5: {  	[sflag:s17] =	ssyncadd.s32 $0xFFFFF800  }
0xd6: {  	_ =	sfence.sel $0x180000  }
0xd7: {  	[bflag:$0x0] =	sbarrier.arrive $0xFFFF  }
0xd8: {  	_ =	strace $0x90000047  }
0xd9: {  	s0 =	stileid.u32;
	[bflag:$0x2] =	sbarrier.arrive $0xFFFF  }
0xda: {  	p0 =	sne.s32 s0, $0x0;
	s0 =	rddreg [dreg:$0x2]  }
0xdb: {  	s0 =	sadd.s32 @!p0 $0x100000, s0  }
0xdc: {  	[sflag:s0] =	ssyncadd.tile.s32 @!p0 $0x1;
	_ =	shalt  }
.Lfunc_end2:
_tile_overlayer_lowered:
.L_overlay_start_2:
0xdd: {  	(tag) =	ssettag $0x2  }
0xde: {  	s0 =	rddreg [dreg:$0x0];
	s2 =	stileid.u32  }
0xdf: {  	s1 =	rddreg [dreg:$0x1];
	p0 =	sne.s32 s2, $0x0  }
0xe0: {  	s3 =	rddreg [dreg:$0x2];
	[bflag:$0x3] =	sbarrier.arrive $0xFFFF;
	s2 =	simm.s32 @!p0 $0x1C05  }
0xe1: {  	[timem:s3], [sflag:s2] =	dma.local @!p0 [hbm:s0], s1  }
0xe2: {  	s0 =	simm.s32 @!p0 $0x5  }
0xe3: {  	_ =	swait.ge @!p0 [sflag:s0], s1  }
0xe4: {  	s1 =	ssub.s32 @!p0 $0x0, s1;
	[sflag:s0] =	ssyncset.done @!p0 $0x0  }
0xe5: {  	[sflag:s0] =	ssyncadd.s32 @!p0 s1  }
0xe6: {  	[bflag:$0x3] =	sbarrier.arrive $0xFFFF  }
0xe7: {  	_ =	shalt  }

// kernel: kernel.7.cloned.1.call-start
scs
__scs_entry_jumppad:
0x0: {  	(pc) =	sbr.rel $0x88, $3  }
0x1: {  	(tag) =	ssettag $0x0;
	lr =	simm.s32 $0x1  }
0x2: {  	[smem:$0x3F9F] =	sst lr;
	_ =	strace $0xD0000000  }
0x3: {  	_ = 	snop  }
0x4: {  	_ = 	snop  }
0x5: {  	_ = 	snop  }
0x6: {  	_ = 	snop  }
0x7: {  	_ = 	snop  }
__scs_overlays_trampoline_lowered:
0x8: {  	[smem:$0x3FAE] =	sst s0  }
0x9: {  	[smem:$0x3FAF] =	sst s1  }
0xa: {  	[smem:$0x3FB0] =	sst s2  }
0xb: {  	[smem:$0x3FB1] =	sst s3  }
0xc: {  	[smem:$0x3FB2] =	sst s4  }
0xd: {  	[smem:$0x3FB3] =	sst s5  }
0xe: {  	[smem:$0x3FB4] =	sst s6  }
0xf: {  	[smem:$0x3FB5] =	sst s7  }
0x10: {  	[smem:$0x3FB6] =	sst s8  }
0x11: {  	[smem:$0x3FB7] =	sst s9;
	s0 =	simm.s32 @!p0 $0x0  }
0x12: {  	s1 =	sld [smem:$0x3F9D];
	s0 =	simm.s32 @p0 $0x1  }
0x13: {  	[smem:$0x3FB8] =	sst s0;
	s0 =	simm.s32 @!p1 $0x0  }
0x14: {  	s2 =	sld [smem:$0x3F9C];
	s0 =	simm.s32 @p1 $0x1  }
0x15: {  	[smem:$0x3FB9] =	sst s0;
	s0 =	simm.s32 @!p2 $0x0  }
0x16: {  	s3 =	sld [smem:$0x3FDB];
	s0 =	simm.s32 @p2 $0x1  }
0x17: {  	s4 =	simm.s32 $0x1BF5;
	[smem:$0x3FBB] =	sst s0  }
0x18: {  	s0 =	sld [smem:$0x3F9E];
	_ =	swait.ge [sflag:s4], $0x0  }
0x19: {  	s7 =	sld [smem:$0x3F9F]  }
0x1a: {  	s8 =	sadd.s32 $0xFFFFE003, lr  }
0x1b: {  	s9 =	sadd.s32 $0xFFFFFEF7, lr;
	s5 =	simm.s32 $0xFFFFFFFF;
	p2 =	slt.u32 s8, $0xFFFFF086  }
0x1c: {  	p1 =	slt.u32 s9, $0xF7A;
	s5 =	simm.s32 @!p2 $0x0  }
0x1d: {  	s5 =	simm.s32 @p1 $0x1;
	p0 =	seq.s32 s7, s2  }
0x1e: {  	s7 =	smul.u32 @!p0 $0xF7A, s2;
	p2 =	seq.s32 @!p0 s5, $0x0  }
0x1f: {  	s9 =	smul.u32 $0xF7A, s1;
	s8 =	simm.s32 @!p0 $0x1BF5;
	p2 =	por !p2, p0  }
0x20: {  	[sflag:s8] =	ssyncset.s32 @!p0 $0xFFFFF086;
	s6 =	sadd.s32 @!p0 s3, s7;
	s7 =	simm.s32 @!p0 $0x108  }
0x21: {  	s3 =	sadd.s32 s3, s9;
	s6 =	sadd.s32 @!p0 $0x88, s6;
	s7 =	simm.s32 @p2 $0x1082  }
0x22: {  	[simem:s7], [sflag:s8] =	dma.local @!p0 [hbm:s6], $0xF7A  }
0x23: {  	s9 =	sor.u32 $0xD0000000, s2;
	s6 =	simm.s32 $0x108;
	_ =	swait.ge @!p0 [sflag:s8], $0x0  }
0x24: {  	s3 =	sadd.s32 $0x88, s3;
	s6 =	simm.s32 @!p1 $0x1082;
	[sflag:s4] =	ssyncset.s32 $0xFFFFF086  }
0x25: {  	[simem:s6], [sflag:s4] =	dma.local [hbm:s3], $0xF7A  }
0x26: {  	[smem:$0x3F9F] =	sst s1;
	(tag) =	ssettag s2;
	_ =	strace s9  }
0x27: {  	s1 =	sld [smem:$0x3FAF]  }
0x28: {  	s2 =	sld [smem:$0x3FB0]  }
0x29: {  	s4 =	sld [smem:$0x3FB2]  }
0x2a: {  	p0 =	seq.s32 s5, $0x0;
	s5 =	sld [smem:$0x3FB3]  }
0x2b: {  	s6 =	sld [smem:$0x3FB4]  }
0x2c: {  	s7 =	sld [smem:$0x3FB5]  }
0x2d: {  	s3 =	simm.s32 $0x108;
	s8 =	sld [smem:$0x3FB6]  }
0x2e: {  	s3 =	simm.s32 @!p0 $0x1082;
	s9 =	sld [smem:$0x3FB7]  }
0x2f: {  	lr =	sadd.s32 s0, s3;
	s0 =	sld [smem:$0x3FAE]  }
0x30: {  	s3 =	sld [smem:$0x3FB1]  }
0x31: {  	[smem:$0x3FBA] =	sst s10  }
0x32: {  	s10 =	sld [smem:$0x3FB8];
	_ =	sdelay $0x3  }
0x33: {  	p0 =	seq.s32 s10, $0x1;
	s10 =	sld [smem:$0x3FBA];
	_ =	sdelay $0x3  }
0x34: {  	[smem:$0x3FBA] =	sst s10  }
0x35: {  	s10 =	sld [smem:$0x3FB9];
	_ =	sdelay $0x3  }
0x36: {  	p1 =	seq.s32 s10, $0x1;
	s10 =	sld [smem:$0x3FBA];
	_ =	sdelay $0x3  }
0x37: {  	[smem:$0x3FBA] =	sst s10  }
0x38: {  	s10 =	sld [smem:$0x3FBB]  }
0x39: {  	_ = 	snop;
	(pc) =	sbr.ind lr, $3  }
0x3a: {  	_ = 	snop  }
0x3b: {  	_ = 	snop  }
0x3c: {  	p2 =	seq.s32 s10, $0x1;
	s10 =	sld [smem:$0x3FBA]  }
0x3d: {  	_ =	shalt  }
0x3e: {  	_ =	shalt  }
0x3f: {  	_ =	shalt  }
0x40: {  	_ =	shalt  }
0x41: {  	_ =	shalt  }
0x42: {  	_ =	shalt  }
0x43: {  	_ =	shalt  }
0x44: {  	_ =	shalt  }
0x45: {  	_ =	shalt  }
0x46: {  	_ =	shalt  }
0x47: {  	_ =	shalt  }
0x48: {  	_ =	shalt  }
0x49: {  	_ =	shalt  }
0x4a: {  	_ =	shalt  }
0x4b: {  	_ =	shalt  }
0x4c: {  	_ =	shalt  }
0x4d: {  	_ =	shalt  }
0x4e: {  	_ =	shalt  }
0x4f: {  	_ =	shalt  }
0x50: {  	_ =	shalt  }
0x51: {  	_ =	shalt  }
0x52: {  	_ =	shalt  }
0x53: {  	_ =	shalt  }
0x54: {  	_ =	shalt  }
0x55: {  	_ =	shalt  }
0x56: {  	_ =	shalt  }
0x57: {  	_ =	shalt  }
0x58: {  	_ =	shalt  }
0x59: {  	_ =	shalt  }
0x5a: {  	_ =	shalt  }
0x5b: {  	_ =	shalt  }
0x5c: {  	_ =	shalt  }
0x5d: {  	_ =	shalt  }
0x5e: {  	_ =	shalt  }
0x5f: {  	_ =	shalt  }
0x60: {  	_ =	shalt  }
0x61: {  	_ =	shalt  }
0x62: {  	_ =	shalt  }
0x63: {  	_ =	shalt  }
0x64: {  	_ =	shalt  }
0x65: {  	_ =	shalt  }
0x66: {  	_ =	shalt  }
0x67: {  	_ =	shalt  }
0x68: {  	_ =	shalt  }
0x69: {  	_ =	shalt  }
0x6a: {  	_ =	shalt  }
0x6b: {  	_ =	shalt  }
0x6c: {  	_ =	shalt  }
0x6d: {  	_ =	shalt  }
0x6e: {  	_ =	shalt  }
0x6f: {  	_ =	shalt  }
0x70: {  	_ =	shalt  }
0x71: {  	_ =	shalt  }
0x72: {  	_ =	shalt  }
0x73: {  	_ =	shalt  }
0x74: {  	_ =	shalt  }
0x75: {  	_ =	shalt  }
0x76: {  	_ =	shalt  }
0x77: {  	_ =	shalt  }
0x78: {  	_ =	shalt  }
0x79: {  	_ =	shalt  }
0x7a: {  	_ =	shalt  }
0x7b: {  	_ =	shalt  }
0x7c: {  	_ =	shalt  }
0x7d: {  	_ =	shalt  }
0x7e: {  	_ =	shalt  }
0x7f: {  	_ =	shalt  }
0x80: {  	_ =	shalt  }
0x81: {  	_ =	shalt  }
0x82: {  	_ =	shalt  }
0x83: {  	_ =	shalt  }
0x84: {  	_ =	shalt  }
0x85: {  	_ =	shalt  }
0x86: {  	_ =	shalt  }
0x87: {  	_ =	shalt  }
.Lfunc_end0:
.L_simem_size_0:
called_computation.1_lowered:
.L_overlay_start_0:
0x88: {  	s2 =	sld [smem:$0x3FD9]  }
0x89: {  	s3 =	sld [smem:$0x3FFE];
	_ =	sdelay $0x1  }
0x8a: {  	s1 =	srdreg.scid  }
0x8b: {  	s0 =	sand.u32 $0x1, s1  }
0x8c: {  	s17 =	sshll.u32 s0, $0xA;
	s2 =	sadd.s32 s3, s2  }
0x8d: {  	s2 =	sadd.s32 s2, s17  }
0x8e: {  	[smem:$0x3FC6] =	sst s2  }
0x8f: {  	_ = 	snop  }
0x90: {  	s2 =	sld [smem:$0x3FD0];
	(tm) =	ssettm $0x1  }
0x91: {  	s18 =	sld [smem:$0x3FFB];
	_ =	sdelay $0x3  }
0x92: {  	_ =	strace s18  }
0x93: {  	s3 =	sld [smem:$0x3FFC];
	_ =	sdelay $0x3  }
0x94: {  	_ =	strace s3  }
0x95: {  	s3 =	sld [smem:$0x3FFD];
	_ =	sdelay $0x3  }
0x96: {  	_ =	strace s3  }
0x97: {  	_ =	strace $0x8FFFFFFF  }
0x98: {  	s19 =	sld [smem:$0x3FDB];
	_ =	sdelay $0x1  }
0x99: {  	s4 =	simm.s32 $_scs_section_size  }
0x9a: {  	s5 =	simm.s32 $_size__tile_overlayer_lowered;
	s6 =	simm.s32 $_tile_overlayer_lowered  }
0x9b: {  	s22 =	simm.s32 $0x1BFF;
	s21 =	sshll.u32 s6, $0x1;
	s3 =	sadd.s32 s4, s19  }
0x9c: {  	s7 =	simm.s32 $0x0;
	s20 =	sshll.u32 s5, $0x1;
	s5 =	sadd.s32 s21, s3  }
0x9d: {  	[timem:s7], [sflag:s22] =	dma.local [hbm:s5], s20  }
0x9e: {  	_ =	swait.ge [sflag:s22], s20  }
0x9f: {  	s4 =	ssub.s32 $0x0, s20;
	[sflag:s22] =	ssyncset.done $0x0  }
0xa0: {  	[sflag:s22] =	ssyncadd.s32 s4;
	_ =	sdelay $0x1  }
0xa1: {  	s23 =	simm.s32 $0x1B8B  }
0xa2: {  	_ =	swait.ge [sflag:s23], $0x1  }
0xa3: {  	[sflag:s23] =	ssyncset.done $0x0  }
0xa4: {  	s25 =	simm.s32 $0x1B8E;
	s24 =	sld [smem:$0x3FFE];
	[sflag:s23] =	ssyncadd.s32 $0xFFFFFFFF  }
0xa5: {  	s26 =	simm.s32 $execute0_lowered;
	[smem:$0x3FD2] =	sst s25  }
0xa6: {  	s5 =	sshll.u32 s26, $0x1;
	_ =	strace $0x80000049;
	[dreg:$0x1] =	wrdreg $0xFFFFFFFF  }
0xa7: {  	s28 =	simm.s32 $_size_execute0_lowered;
	s3 =	sadd.s32 s3, s5;
	[dreg:$0x0] =	wrdreg $0x0  }
0xa8: {  	s5 =	sshll.u32 s28, $0x1;
	[dreg:$0x2] =	wrdreg s3  }
0xa9: {  	[dreg:$0x3] =	wrdreg s5  }
0xaa: {  	[dreg:$0x4] =	wrdreg $0xC0  }
0xab: {  	_ =	task [dreg:s7], $0x5FFFF  }
0xac: {  	[dreg:$0x1] =	wrdreg $0xFFFFFFFF  }
0xad: {  	[dreg:$0x0] =	wrdreg $0x60  }
0xae: {  	[dreg:$0x2] =	wrdreg s24  }
0xaf: {  	[dreg:$0x3] =	wrdreg s2  }
0xb0: {  	[dreg:$0x4] =	wrdreg $0x9  }
0xb1: {  	_ =	task.clear_ibuf [dreg:s7], $0x5FFFF;
	_ =	strace $0x90000049  }
0xb2: {  	s29 =	simm.s32 $0x9;
	_ =	strace $0x8000004B  }
0xb3: {  	_ =	swait.ge [sflag:s29], $0x1  }
0xb4: {  	[sflag:s29] =	ssyncadd.s32 $0xFFFFFFFF  }
0xb5: {  	_ =	strace $0x9000004B  }
0xb6: {  	_ =	sfence  }
0xb7: {  	s30 =	sld [smem:$0x0];
	_ =	sdelay $0x2  }
0xb8: {  	s31 =	sshll.u32 s1, $0xD;
	s1 =	sshrl.u32 s1, $0x2  }
0xb9: {  	s3 =	sand.u32 $0x4000, s31;
	s1 =	sadd.s32 s1, s30  }
0xba: {  	s0 =	sor.u32 s3, s0;
	s1 =	sshll.u32 s1, $0x11  }
0xbb: {  	s0 =	sor.u32 s1, s0  }
0xbc: {  	s0 =	sadd.s32 $0x8F2B, s0  }
0xbd: {  	[sflag:s0] =	ssyncadd.remote.s32 $0x1  }
0xbe: {  	_ =	sfence.sel $0xFFFF  }
0xbf: {  	[dreg:$0x0] =	wrdreg $0xFFFFFFFF;
	(pc) =	sbr.abs _section_cstart, $3  }
0xc0: {  	[dreg:$0x1] =	wrdreg $0xFFFFFFFF  }
0xc1: {  	_ =	task.clear_ibuf [dreg:s7], $0x2FFFF;
	_ =	strace $0x9FFFFFFF  }
0xc2: {  	(tm) =	ssettm $0x7FFFFFFF  }
0xc3: {  	_ =	shalt  }
tec
execute0_lowered:
.L_overlay_start_1:
0x0: {  	(tag) =	ssettag $0x1  }
0x1: {  	s0 =	rddreg [dreg:$0x0]  }
0x2: {  	s1 =	rddreg [dreg:$0x1];
	s2 =	simm.s32 $0x0;
	s3 =	srdreg.scid  }
0x3: {  	s5 =	stileid.u32;
	s11 =	simm.s32 $0x5;
	s12 =	simm.s32 $0x80  }
0x4: {  	s15 =	simm.s32 $0x1;
	s16 =	simm.s32 $0x2100;
	s30 =	simm.s32 $0x2  }
0x5: {  	s31 =	simm.s32 $0x3200;
	s19 =	simm.s32 $0x3F48;
	s20 =	simm.s32 $0x3FD0  }
0x6: {  	v0 =	vlaneseq.u32;
	s21 =	simm.s32 $0x4058;
	s22 =	simm.s32 $0x40E0;
	s23 =	simm.s32 $0x4168  }
0x7: {  	v1 =	vimm.s32 $0x0;
	vm0 =	vcmask $0x300;
	s24 =	simm.s32 $0x41F0;
	s25 =	simm.s32 $0x4278;
	s26 =	simm.s32 $0x3;
	v0 =	vmul.u32 $0x88, v0  }
0x8: {  	s28 =	simm.s32 $0x4;
	[smem:$0x7FF] =	sst s2;
	s3 =	sand.u32 $0x1, s3;
	v1 =	vsel vm0, $0x3, v1  }
0x9: {  	s4 =	sadd.s32 $0x3D1400, s0;
	s8 =	sshll.u32 s5, $0x1;
	s6 =	ssub.s32 $0x2, s3;
	v2 =	vadd.s32 $0x880, v0;
	v3 =	vor.u32 $0x1, v0;
	v4 =	vadd.s32 $0x881, v0  }
0xa: {  	s5 =	sadd.s32 $0xA00, s0;
	s9 =	sadd.s32 $0xC000, s1;
	s7 =	sshrl.u32 s6, $0x1;
	v5 =	vor.u32 $0x2, v0;
	v6 =	vadd.s32 $0x882, v0;
	v7 =	vor.u32 $0x3, v0  }
0xb: {  	_ =	strace $0x8000004A;
	s3 =	sor.u32 s3, s8;
	v8 =	vadd.s32 $0x883, v0;
	v9 =	vor.u32 $0x4, v0;
	v10 =	vadd.s32 $0x884, v0;
	s29 =	ssub.s32 s6, s7  }
0xc: {  	s8 =	sadd.s32 $0x8000, s1;
	v11 =	vor.u32 $0x5, v0;
	v12 =	vadd.s32 $0x885, v0;
	v13 =	vor.u32 $0x6, v0;
	s6 =	smul.u32 $0x68, s3;
	s0 =	smax.u32 s29, $0x1  }
0xd: {  	v14 =	vadd.s32 $0x886, v0;
	v15 =	vor.u32 $0x7, v0;
	v16 =	vadd.s32 $0x887, v0;
	s7 =	sadd.s32 $0x4000, s1;
	s3 =	simm.s32 $0x0;
	[dreg:$0x3] =	wrdreg s0  }
.LBB2_1:
0xe: {  	[dreg:$0x4] =	wrdreg s3;
	s29 =	simm.s32 $0x0  }
.LBB2_2:
0xf: {  	s0 =	sshll.u32 s29, $0x1  }
0x10: {  	s0 =	sadd.s32 s6, s0  }
0x11: {  	s10 =	sand.u32 $0x7E, s0  }
0x12: {  	s3 =	sshrl.u32 s0, $0x7;
	s14 =	sshll.u32 s10, $0x4  }
0x13: {  	s13 =	sshll.u32 s3, $0xB;
	s0 =	sadd.s32 s4, s14  }
0x14: {  	s14 =	simm.s32 $0x0;
	s0 =	sadd.s32 s13, s0  }
0x15: {  	[tilespmem:s14], [sflag:$0x5] =	stream.linear.gather [hbm4b:s0+s14], $0x80, $0x38;
	[tilespmem:$0x4300] =	vst v63  }
0x16: {  	_ =	swait.ge [sflag:s11], $0x80  }
0x17: {  	[sflag:s11] =	ssyncset.done $0x0  }
0x18: {  	s17 =	simm.s32 $0x100;
	s0 =	sor.u32 $0x1, s10;
	[sflag:s11] =	ssyncadd.s32 $0xFFFFFF80  }
0x19: {  	[tilespmem:s17], [sflag:$0x1] =	stream.indirect.gather [hbm4b:s5+s12], $0x20, s14, s12, $0xb8;
	[tilespmem:$0x4300] =	vst v63  }
0x1a: {  	s13 =	sadd.s32 s4, s13;
	s17 =	sshll.u32 s0, $0x4  }
0x1b: {  	s13 =	sadd.s32 s17, s13  }
0x1c: {  	[tilespmem:s12], [sflag:$0x5] =	stream.linear.gather [hbm4b:s13+s14], $0x80, $0x38;
	[tilespmem:$0x4300] =	vst v63  }
0x1d: {  	_ =	swait.ge [sflag:s11], $0x80  }
0x1e: {  	[sflag:s11] =	ssyncset.done $0x0  }
0x1f: {  	s18 =	simm.s32 $0x1100;
	s13 =	simm.s32 $0x7;
	[sflag:s11] =	ssyncadd.s32 $0xFFFFFF80  }
0x20: {  	v17 =	vmov s13;
	[tilespmem:s18], [sflag:$0x2] =	stream.indirect.gather [hbm4b:s5+s12], $0x20, s12, s12, $0xb8;
	[tilespmem:$0x4300] =	vst v63  }
0x21: {  	s17 =	simm.s32 $0x1;
	v17 =	vshrl.u32 v17, $0x3;
	_ =	swait.ge [sflag:s15], $0x1000  }
0x22: {  	v18 =	vmov s17;
	v17 =	vshll.u32 v17, v1;
	[sflag:s15] =	ssyncset.done $0x0  }
0x23: {  	s13 =	simm.s32 $0x180;
	v18 =	vshrl.u32 v18, $0x3;
	v17 =	vbroadcast v17, $0x0;
	s18 =	simm.s32 $0x2;
	[sflag:s15] =	ssyncadd.s32 $0xFFFFF000  }
0x24: {  	v20 =	vmov s14;
	v18 =	vshll.u32 v18, v1;
	v19 =	vmov s18;
	v21 =	vld [tilespmem:s13+$0x60]  }
0x25: {  	v18 =	vbroadcast v18, $0x0;
	s18 =	simm.s32 $0x3;
	v22 =	vadd.s32 v15, v17;
	v19 =	vshrl.u32 v19, $0x3;
	v23 =	vld [tilespmem:s13+$0x70]  }
0x26: {  	v24 =	vadd.s32 v16, v17;
	v25 =	vmov s18;
	v19 =	vshll.u32 v19, v1;
	v17 =	vld [tilespmem:s13+$0xFFFFFF90]  }
0x27: {  	s17 =	simm.s32 $0x4;
	v27 =	vadd.s32 v3, v18;
	v25 =	vshrl.u32 v25, $0x3;
	v26 =	vld [tilespmem:s13+$0xFFFFFFA0];
	v19 =	vbroadcast v19, $0x0  }
0x28: {  	v29 =	vadd.s32 v4, v18;
	v28 =	vld [tilespmem:s13+$0xFFFFFFB0];
	v18 =	vshll.u32 v25, v1;
	v25 =	vmov s17  }
0x29: {  	s18 =	simm.s32 $0x5;
	v31 =	vld [tilespmem:s13+$0xFFFFFFC0];
	v30 =	vbroadcast v18, $0x0;
	v18 =	vshrl.u32 v25, $0x3;
	v32 =	vadd.s32 v5, v19  }
0x2a: {  	v33 =	vld [tilespmem:s13+$0xFFFFFFD0];
	v34 =	vadd.s32 v6, v19;
	[tilespmem:v22+s16+$0x0] =	vst.idx.msk $0xffff, v21;
	v21 =	vshll.u32 v18, v1;
	v22 =	vmov s18  }
0x2b: {  	s17 =	simm.s32 $0x6;
	v19 =	vadd.s32 v7, v30;
	v18 =	vld [tilespmem:s13+$0xFFFFFFE0];
	[tilespmem:v24+s16+$0x0] =	vst.idx.msk $0xffff, v23;
	v23 =	vbroadcast v21, $0x0;
	v22 =	vshrl.u32 v22, $0x3  }
0x2c: {  	v25 =	vadd.s32 v8, v30;
	[tilespmem:v27+s16+$0x0] =	vst.idx.msk $0xffff, v26;
	v27 =	vmov s17;
	v21 =	vld [tilespmem:s13+$0xFFFFFFF0];
	v24 =	vshll.u32 v22, v1  }
0x2d: {  	[tilespmem:v29+s16+$0x0] =	vst.idx.msk $0xffff, v28;
	v27 =	vshrl.u32 v27, $0x3;
	v22 =	vld [tilespmem:s13+$0x0];
	v26 =	vadd.s32 v9, v23;
	v28 =	vbroadcast v24, $0x0  }
0x2e: {  	v30 =	vshrl.u32 v20, $0x3;
	v20 =	vld [tilespmem:s13+$0x10];
	s18 =	simm.s32 $0xF;
	[tilespmem:v32+s16+$0x0] =	vst.idx.msk $0xffff, v31;
	v29 =	vshll.u32 v27, v1;
	v24 =	vadd.s32 v10, v23  }
0x2f: {  	s14 =	simm.s32 $0x8;
	s17 =	simm.s32 $0x10;
	v31 =	vmov s18;
	[tilespmem:v34+s16+$0x0] =	vst.idx.msk $0xffff, v33;
	v23 =	vld [tilespmem:s13+$0x20];
	v29 =	vbroadcast v29, $0x0;
	v27 =	vadd.s32 v11, v28  }
.LBB2_3:
0x30: {  	p0 =	slt.u32 s17, $0x78;
	v31 =	vshrl.u32 v31, $0x3;
	v30 =	vshll.u32 v30, v1;
	[tilespmem:v19+s16+$0x0] =	vst.idx.msk $0xffff, v18;
	v18 =	vld [tilespmem:s13+$0x30];
	v19 =	vadd.s32 v12, v28  }
0x31: {  	s18 =	sadd.s32 $0x1, s14;
	v28 =	vshll.u32 v31, v1;
	v30 =	vbroadcast v30, $0x0;
	[tilespmem:v25+s16+$0x0] =	vst.idx.msk $0xffff, v21;
	v21 =	vld [tilespmem:s13+$0x40];
	v25 =	vadd.s32 v13, v29  }
0x32: {  	v31 =	vmov s18;
	v28 =	vbroadcast v28, $0x0;
	[tilespmem:v26+s16+$0x0] =	vst.idx.msk $0xffff, v22;
	v22 =	vld [tilespmem:s13+$0x50];
	v26 =	vadd.s32 v14, v29  }
0x33: {  	s18 =	sadd.s32 $0x2, s14;
	v29 =	vmov s14;
	v31 =	vshrl.u32 v31, $0x3;
	v32 =	vld [tilespmem:s13+$0xFFFFFF80];
	v33 =	vadd.s32 v0, v30;
	[tilespmem:v24+s16+$0x0] =	vst.idx.msk $0xffff, v20;
	s13 =	sadd.s32 $0x100, s13  }
0x34: {  	v20 =	vshll.u32 v31, v1;
	v24 =	vmov s18;
	v31 =	vld [tilespmem:s13+$0x60];
	v34 =	vadd.s32 v15, v28;
	[tilespmem:v27+s16+$0x0] =	vst.idx.msk $0xffff, v23  }
0x35: {  	s18 =	sadd.s32 $0x3, s14;
	v20 =	vbroadcast v20, $0x0;
	v23 =	vshrl.u32 v24, $0x3;
	v27 =	vadd.s32 v16, v28;
	v24 =	vld [tilespmem:s13+$0x70];
	[tilespmem:v19+s16+$0x0] =	vst.idx.msk $0xffff, v18  }
0x36: {  	v18 =	vshll.u32 v23, v1;
	v19 =	vmov s18;
	v23 =	vadd.s32 v2, v30;
	v28 =	vld [tilespmem:s13+$0xFFFFFF90];
	[tilespmem:v25+s16+$0x0] =	vst.idx.msk $0xffff, v21  }
0x37: {  	s18 =	sadd.s32 $0x4, s14;
	v25 =	vadd.s32 v3, v20;
	v18 =	vbroadcast v18, $0x0;
	v19 =	vshrl.u32 v19, $0x3;
	v21 =	vld [tilespmem:s13+$0xFFFFFFA0];
	[tilespmem:v26+s16+$0x0] =	vst.idx.msk $0xffff, v22  }
0x38: {  	v20 =	vadd.s32 v4, v20;
	v19 =	vshll.u32 v19, v1;
	v26 =	vmov s18;
	v22 =	vld [tilespmem:s13+$0xFFFFFFB0];
	[tilespmem:v33+s16+$0x0] =	vst.idx.msk $0xffff, v32  }
0x39: {  	s18 =	sadd.s32 $0x5, s14;
	v33 =	vadd.s32 v5, v18;
	v30 =	vbroadcast v19, $0x0;
	v19 =	vshrl.u32 v26, $0x3;
	v32 =	vld [tilespmem:s13+$0xFFFFFFC0];
	[tilespmem:v34+s16+$0x0] =	vst.idx.msk $0xffff, v31  }
0x3a: {  	v35 =	vadd.s32 v6, v18;
	v26 =	vshll.u32 v19, v1;
	v31 =	vmov s18;
	v34 =	vld [tilespmem:s13+$0xFFFFFFD0];
	[tilespmem:v27+s16+$0x0] =	vst.idx.msk $0xffff, v24  }
.Ltmp0:
0x3b: {  	s18 =	sadd.s32 $0x6, s14;
	s14 =	smov.u32 s17;
	v19 =	vadd.s32 v7, v30;
	v24 =	vbroadcast v26, $0x0;
	v26 =	vshrl.u32 v31, $0x3;
	v18 =	vld [tilespmem:s13+$0xFFFFFFE0];
	[tilespmem:v23+s16+$0x0] =	vst.idx.msk $0xffff, v17;
	v17 =	vmovc v28;
	(pc) =	sbr.rel @p0 .LBB2_3-.Ltmp0, $4  }
0x3c: {  	v27 =	vmov s18;
	v23 =	vshll.u32 v26, v1;
	[tilespmem:v25+s16+$0x0] =	vst.idx.msk $0xffff, v21;
	v21 =	vld [tilespmem:s13+$0xFFFFFFF0];
	v25 =	vadd.s32 v8, v30  }
0x3d: {  	v26 =	vadd.s32 v9, v24;
	v28 =	vbroadcast v23, $0x0;
	v23 =	vshrl.u32 v27, $0x3;
	[tilespmem:v20+s16+$0x0] =	vst.idx.msk $0xffff, v22;
	v22 =	vld [tilespmem:s13+$0x0]  }
0x3e: {  	s18 =	sadd.s32 $0x7, s17;
	v30 =	vshrl.u32 v29, $0x3;
	v24 =	vadd.s32 v10, v24;
	v29 =	vshll.u32 v23, v1;
	[tilespmem:v33+s16+$0x0] =	vst.idx.msk $0xffff, v32;
	v20 =	vld [tilespmem:s13+$0x10]  }
0x3f: {  	s17 =	sadd.s32 $0x8, s17;
	v31 =	vmov s18;
	v27 =	vadd.s32 v11, v28;
	v29 =	vbroadcast v29, $0x0;
	[tilespmem:v35+s16+$0x0] =	vst.idx.msk $0xffff, v34;
	v23 =	vld [tilespmem:s13+$0x20]  }
0x40: {  	_ =	sdelay $0x3  }
0x41: {  	v31 =	vshrl.u32 v31, $0x3;
	v30 =	vshll.u32 v30, v1;
	[tilespmem:v19+s16+$0x0] =	vst.idx.msk $0xffff, v18;
	v18 =	vld [tilespmem:s13+$0x30];
	v19 =	vadd.s32 v12, v28  }
0x42: {  	s17 =	sadd.s32 $0x1, s14;
	v28 =	vshll.u32 v31, v1;
	v30 =	vbroadcast v30, $0x0;
	[tilespmem:v25+s16+$0x0] =	vst.idx.msk $0xffff, v21;
	v21 =	vld [tilespmem:s13+$0x40];
	v25 =	vadd.s32 v13, v29  }
0x43: {  	v31 =	vmov s17;
	v28 =	vbroadcast v28, $0x0;
	[tilespmem:v26+s16+$0x0] =	vst.idx.msk $0xffff, v22;
	v22 =	vld [tilespmem:s13+$0x50];
	v26 =	vadd.s32 v14, v29  }
0x44: {  	s18 =	sadd.s32 $0x2, s14;
	v29 =	vshrl.u32 v31, $0x3;
	v31 =	vld [tilespmem:s13+$0xFFFFFF80];
	s13 =	sadd.s32 $0x100, s13;
	v32 =	vadd.s32 v0, v30;
	[tilespmem:v24+s16+$0x0] =	vst.idx.msk $0xffff, v20  }
0x45: {  	v20 =	vshll.u32 v29, v1;
	v24 =	vmov s18;
	v29 =	vld [tilespmem:s13+$0x60];
	v33 =	vadd.s32 v15, v28;
	[tilespmem:v27+s16+$0x0] =	vst.idx.msk $0xffff, v23  }
0x46: {  	s18 =	sadd.s32 $0x3, s14;
	v20 =	vbroadcast v20, $0x0;
	v23 =	vshrl.u32 v24, $0x3;
	v24 =	vld [tilespmem:s13+$0x70];
	v27 =	vadd.s32 v16, v28;
	[tilespmem:v19+s16+$0x0] =	vst.idx.msk $0xffff, v18  }
0x47: {  	v18 =	vshll.u32 v23, v1;
	v19 =	vmov s18;
	v23 =	vadd.s32 v2, v30;
	[tilespmem:v25+s16+$0x0] =	vst.idx.msk $0xffff, v21  }
0x48: {  	s18 =	sadd.s32 $0x4, s14;
	v21 =	vld [tilespmem:s13+$0xFFFFFFA0];
	v25 =	vadd.s32 v3, v20;
	v18 =	vbroadcast v18, $0x0;
	v19 =	vshrl.u32 v19, $0x3;
	[tilespmem:v26+s16+$0x0] =	vst.idx.msk $0xffff, v22  }
0x49: {  	v20 =	vadd.s32 v4, v20;
	v22 =	vld [tilespmem:s13+$0xFFFFFFB0];
	v19 =	vshll.u32 v19, v1;
	v26 =	vmov s18;
	[tilespmem:v32+s16+$0x0] =	vst.idx.msk $0xffff, v31  }
0x4a: {  	v28 =	vld [tilespmem:s13+$0xFFFFFFC0];
	s18 =	sadd.s32 $0x5, s14;
	v30 =	vadd.s32 v5, v18;
	v19 =	vbroadcast v19, $0x0;
	v26 =	vshrl.u32 v26, $0x3;
	[tilespmem:v33+s16+$0x0] =	vst.idx.msk $0xffff, v29  }
0x4b: {  	v18 =	vadd.s32 v6, v18;
	v31 =	vmov s18;
	v29 =	vld [tilespmem:s13+$0xFFFFFFD0];
	v26 =	vshll.u32 v26, v1;
	[tilespmem:v27+s16+$0x0] =	vst.idx.msk $0xffff, v24  }
0x4c: {  	s18 =	sadd.s32 $0x6, s14;
	v31 =	vshrl.u32 v31, $0x3;
	v24 =	vld [tilespmem:s13+$0xFFFFFFE0];
	v27 =	vadd.s32 v7, v19;
	v26 =	vbroadcast v26, $0x0;
	[tilespmem:v23+s16+$0x0] =	vst.idx.msk $0xffff, v17  }
0x4d: {  	v17 =	vld [tilespmem:s13+$0xFFFFFFF0];
	v19 =	vadd.s32 v8, v19;
	v23 =	vmov s18;
	[tilespmem:v25+s16+$0x0] =	vst.idx.msk $0xffff, v21;
	v21 =	vshll.u32 v31, v1  }
0x4e: {  	v23 =	vshrl.u32 v23, $0x3;
	[tilespmem:v20+s16+$0x0] =	vst.idx.msk $0xffff, v22;
	v20 =	vld [tilespmem:s13+$0x0];
	v22 =	vadd.s32 v9, v26;
	v21 =	vbroadcast v21, $0x0  }
0x4f: {  	v25 =	vmov s14;
	v26 =	vadd.s32 v10, v26;
	v23 =	vshll.u32 v23, v1;
	[tilespmem:v30+s16+$0x0] =	vst.idx.msk $0xffff, v28;
	v28 =	vld [tilespmem:s13+$0x10]  }
0x50: {  	v25 =	vshrl.u32 v25, $0x3;
	v23 =	vbroadcast v23, $0x0;
	[tilespmem:v18+s16+$0x0] =	vst.idx.msk $0xffff, v29;
	v18 =	vld [tilespmem:s13+$0x20];
	v29 =	vadd.s32 v11, v21  }
0x51: {  	v25 =	vshll.u32 v25, v1;
	v21 =	vadd.s32 v12, v21;
	[tilespmem:v27+s16+$0x0] =	vst.idx.msk $0xffff, v24;
	v24 =	vld [tilespmem:s13+$0x30]  }
0x52: {  	v25 =	vbroadcast v25, $0x0;
	[tilespmem:v19+s16+$0x0] =	vst.idx.msk $0xffff, v17;
	v17 =	vld [tilespmem:s13+$0x40];
	v19 =	vadd.s32 v13, v23  }
0x53: {  	[tilespmem:v22+s16+$0x0] =	vst.idx.msk $0xffff, v20;
	v20 =	vld [tilespmem:s13+$0x50];
	v22 =	vadd.s32 v14, v23  }
0x54: {  	v27 =	vadd.s32 v0, v25;
	v23 =	vld [tilespmem:s13+$0xFFFFFF80];
	[tilespmem:v26+s16+$0x0] =	vst.idx.msk $0xffff, v28  }
0x55: {  	v26 =	vld [tilespmem:s13+$0xFFFFFF90];
	[tilespmem:v29+s16+$0x0] =	vst.idx.msk $0xffff, v18;
	v18 =	vadd.s32 v2, v25  }
0x56: {  	[tilespmem:v21+s16+$0x0] =	vst.idx.msk $0xffff, v24  }
0x57: {  	[tilespmem:v19+s16+$0x0] =	vst.idx.msk $0xffff, v17  }
0x58: {  	s3 =	sshll.u32 s3, $0x10;
	s10 =	sshll.u32 s10, $0x7;
	[tilespmem:v22+s16+$0x0] =	vst.idx.msk $0xffff, v20  }
0x59: {  	s10 =	sor.u32 s10, s3;
	[tilespmem:v27+s16+$0x0] =	vst.idx.msk $0xffff, v23  }
0x5a: {  	s14 =	sadd.s32 s1, s10;
	s13 =	simm.s32 $0x0;
	[tilespmem:v18+s16+$0x0] =	vst.idx.msk $0xffff, v26  }
0x5b: {  	[hbm4b:s14+s13] =	stream.linear.scatter [tilespmem:s16], [sflag:$0x3], $0x80, $0x38;
	[tilespmem:$0x4300] =	vst v63  }
0x5c: {  	s18 =	simm.s32 $0x2188;
	s17 =	sadd.s32 $0x10, s14  }
0x5d: {  	[hbm4b:s17+s13] =	stream.linear.scatter [tilespmem:s18], [sflag:$0x3], $0x80, $0x38;
	[tilespmem:$0x4300] =	vst v63  }
0x5e: {  	s17 =	sadd.s32 $0x20, s14;
	s18 =	simm.s32 $0x2210  }
0x5f: {  	[hbm4b:s17+s13] =	stream.linear.scatter [tilespmem:s18], [sflag:$0x3], $0x80, $0x38;
	[tilespmem:$0x4300] =	vst v63  }
0x60: {  	s17 =	sadd.s32 $0x30, s14;
	s18 =	simm.s32 $0x2298  }
0x61: {  	[hbm4b:s17+s13] =	stream.linear.scatter [tilespmem:s18], [sflag:$0x3], $0x80, $0x38;
	[tilespmem:$0x4300] =	vst v63  }
0x62: {  	s17 =	sadd.s32 $0x40, s14;
	s18 =	simm.s32 $0x2320  }
0x63: {  	[hbm4b:s17+s13] =	stream.linear.scatter [tilespmem:s18], [sflag:$0x3], $0x80, $0x38;
	[tilespmem:$0x4300] =	vst v63  }
0x64: {  	s17 =	sadd.s32 $0x50, s14;
	s18 =	simm.s32 $0x23A8  }
0x65: {  	[hbm4b:s17+s13] =	stream.linear.scatter [tilespmem:s18], [sflag:$0x3], $0x80, $0x38;
	[tilespmem:$0x4300] =	vst v63  }
0x66: {  	s17 =	sadd.s32 $0x60, s14;
	s18 =	simm.s32 $0x2430  }
0x67: {  	[hbm4b:s17+s13] =	stream.linear.scatter [tilespmem:s18], [sflag:$0x3], $0x80, $0x38;
	[tilespmem:$0x4300] =	vst v63  }
0x68: {  	s14 =	sadd.s32 $0x70, s14;
	s18 =	simm.s32 $0x24B8  }
0x69: {  	[hbm4b:s14+s13] =	stream.linear.scatter [tilespmem:s18], [sflag:$0x3], $0x80, $0x38;
	[tilespmem:$0x4300] =	vst v63  }
0x6a: {  	s14 =	sadd.s32 s10, s7;
	s18 =	simm.s32 $0x2540  }
0x6b: {  	[hbm4b:s14+s13] =	stream.linear.scatter [tilespmem:s18], [sflag:$0x3], $0x80, $0x38;
	[tilespmem:$0x4300] =	vst v63  }
0x6c: {  	s17 =	sadd.s32 $0x10, s14;
	s18 =	simm.s32 $0x25C8  }
0x6d: {  	[hbm4b:s17+s13] =	stream.linear.scatter [tilespmem:s18], [sflag:$0x3], $0x80, $0x38;
	[tilespmem:$0x4300] =	vst v63  }
0x6e: {  	s17 =	sadd.s32 $0x20, s14;
	s18 =	simm.s32 $0x2650  }
0x6f: {  	[hbm4b:s17+s13] =	stream.linear.scatter [tilespmem:s18], [sflag:$0x3], $0x80, $0x38;
	[tilespmem:$0x4300] =	vst v63  }
0x70: {  	s17 =	sadd.s32 $0x30, s14;
	s18 =	simm.s32 $0x26D8  }
0x71: {  	[hbm4b:s17+s13] =	stream.linear.scatter [tilespmem:s18], [sflag:$0x3], $0x80, $0x38;
	[tilespmem:$0x4300] =	vst v63  }
0x72: {  	s17 =	sadd.s32 $0x40, s14;
	s18 =	simm.s32 $0x2760  }
0x73: {  	[hbm4b:s17+s13] =	stream.linear.scatter [tilespmem:s18], [sflag:$0x3], $0x80, $0x38;
	[tilespmem:$0x4300] =	vst v63  }
0x74: {  	s17 =	sadd.s32 $0x50, s14;
	s18 =	simm.s32 $0x27E8  }
0x75: {  	[hbm4b:s17+s13] =	stream.linear.scatter [tilespmem:s18], [sflag:$0x3], $0x80, $0x38;
	[tilespmem:$0x4300] =	vst v63  }
0x76: {  	s17 =	sadd.s32 $0x60, s14;
	s18 =	simm.s32 $0x2870  }
0x77: {  	[hbm4b:s17+s13] =	stream.linear.scatter [tilespmem:s18], [sflag:$0x3], $0x80, $0x38;
	[tilespmem:$0x4300] =	vst v63  }
0x78: {  	s14 =	sadd.s32 $0x70, s14;
	s18 =	simm.s32 $0x28F8  }
0x79: {  	[hbm4b:s14+s13] =	stream.linear.scatter [tilespmem:s18], [sflag:$0x3], $0x80, $0x38;
	[tilespmem:$0x4300] =	vst v63  }
0x7a: {  	s14 =	sadd.s32 s10, s8;
	s18 =	simm.s32 $0x2980  }
0x7b: {  	[hbm4b:s14+s13] =	stream.linear.scatter [tilespmem:s18], [sflag:$0x3], $0x80, $0x38;
	[tilespmem:$0x4300] =	vst v63  }
0x7c: {  	s17 =	sadd.s32 $0x10, s14;
	s18 =	simm.s32 $0x2A08  }
0x7d: {  	[hbm4b:s17+s13] =	stream.linear.scatter [tilespmem:s18], [sflag:$0x3], $0x80, $0x38;
	[tilespmem:$0x4300] =	vst v63  }
0x7e: {  	s17 =	sadd.s32 $0x20, s14;
	s18 =	simm.s32 $0x2A90  }
0x7f: {  	[hbm4b:s17+s13] =	stream.linear.scatter [tilespmem:s18], [sflag:$0x3], $0x80, $0x38;
	[tilespmem:$0x4300] =	vst v63  }
0x80: {  	s17 =	sadd.s32 $0x30, s14;
	s18 =	simm.s32 $0x2B18  }
0x81: {  	[hbm4b:s17+s13] =	stream.linear.scatter [tilespmem:s18], [sflag:$0x3], $0x80, $0x38;
	[tilespmem:$0x4300] =	vst v63  }
0x82: {  	s17 =	sadd.s32 $0x40, s14;
	s18 =	simm.s32 $0x2BA0  }
0x83: {  	[hbm4b:s17+s13] =	stream.linear.scatter [tilespmem:s18], [sflag:$0x3], $0x80, $0x38;
	[tilespmem:$0x4300] =	vst v63  }
0x84: {  	s17 =	sadd.s32 $0x50, s14;
	s18 =	simm.s32 $0x2C28  }
0x85: {  	[hbm4b:s17+s13] =	stream.linear.scatter [tilespmem:s18], [sflag:$0x3], $0x80, $0x38;
	[tilespmem:$0x4300] =	vst v63  }
0x86: {  	s17 =	sadd.s32 $0x60, s14;
	s18 =	simm.s32 $0x2CB0  }
0x87: {  	[hbm4b:s17+s13] =	stream.linear.scatter [tilespmem:s18], [sflag:$0x3], $0x80, $0x38;
	[tilespmem:$0x4300] =	vst v63  }
0x88: {  	s14 =	sadd.s32 $0x70, s14;
	s18 =	simm.s32 $0x2D38  }
0x89: {  	[hbm4b:s14+s13] =	stream.linear.scatter [tilespmem:s18], [sflag:$0x3], $0x80, $0x38;
	[tilespmem:$0x4300] =	vst v63  }
0x8a: {  	s10 =	sadd.s32 s10, s9;
	s18 =	simm.s32 $0x2DC0  }
0x8b: {  	[hbm4b:s10+s13] =	stream.linear.scatter [tilespmem:s18], [sflag:$0x3], $0x80, $0x38;
	[tilespmem:$0x4300] =	vst v63  }
0x8c: {  	s17 =	sadd.s32 $0x10, s10;
	s18 =	simm.s32 $0x2E48  }
0x8d: {  	[hbm4b:s17+s13] =	stream.linear.scatter [tilespmem:s18], [sflag:$0x3], $0x80, $0x38;
	[tilespmem:$0x4300] =	vst v63  }
0x8e: {  	s17 =	sadd.s32 $0x20, s10;
	s18 =	simm.s32 $0x2ED0  }
0x8f: {  	[hbm4b:s17+s13] =	stream.linear.scatter [tilespmem:s18], [sflag:$0x3], $0x80, $0x38;
	[tilespmem:$0x4300] =	vst v63  }
0x90: {  	s17 =	sadd.s32 $0x30, s10;
	s18 =	simm.s32 $0x2F58  }
0x91: {  	[hbm4b:s17+s13] =	stream.linear.scatter [tilespmem:s18], [sflag:$0x3], $0x80, $0x38;
	[tilespmem:$0x4300] =	vst v63  }
0x92: {  	s17 =	sadd.s32 $0x40, s10;
	s18 =	simm.s32 $0x2FE0  }
0x93: {  	[hbm4b:s17+s13] =	stream.linear.scatter [tilespmem:s18], [sflag:$0x3], $0x80, $0x38;
	[tilespmem:$0x4300] =	vst v63  }
0x94: {  	s17 =	sadd.s32 $0x50, s10;
	s18 =	simm.s32 $0x3068  }
0x95: {  	[hbm4b:s17+s13] =	stream.linear.scatter [tilespmem:s18], [sflag:$0x3], $0x80, $0x38;
	[tilespmem:$0x4300] =	vst v63  }
0x96: {  	s17 =	sadd.s32 $0x60, s10;
	s18 =	simm.s32 $0x30F0  }
0x97: {  	[hbm4b:s17+s13] =	stream.linear.scatter [tilespmem:s18], [sflag:$0x3], $0x80, $0x38;
	[tilespmem:$0x4300] =	vst v63  }
0x98: {  	s14 =	simm.s32 $0x7;
	s10 =	sadd.s32 $0x70, s10;
	s18 =	simm.s32 $0x3178  }
0x99: {  	v17 =	vmov s14;
	[hbm4b:s10+s13] =	stream.linear.scatter [tilespmem:s18], [sflag:$0x3], $0x80, $0x38;
	[tilespmem:$0x4300] =	vst v63  }
0x9a: {  	v17 =	vshrl.u32 v17, $0x3;
	s17 =	simm.s32 $0x1;
	_ =	swait.ge [sflag:s30], $0x1000  }
0x9b: {  	v17 =	vshll.u32 v17, v1;
	v18 =	vmov s17;
	[sflag:s30] =	ssyncset.done $0x0  }
0x9c: {  	v17 =	vbroadcast v17, $0x0;
	s10 =	simm.s32 $0x1180;
	v18 =	vshrl.u32 v18, $0x3;
	s18 =	simm.s32 $0x2;
	[sflag:s30] =	ssyncadd.s32 $0xFFFFF000  }
0x9d: {  	v20 =	vmov s13;
	v18 =	vshll.u32 v18, v1;
	v19 =	vmov s18;
	v21 =	vld [tilespmem:s10+$0x60]  }
0x9e: {  	v22 =	vadd.s32 v15, v17;
	s17 =	simm.s32 $0x3;
	v18 =	vbroadcast v18, $0x0;
	v19 =	vshrl.u32 v19, $0x3;
	v23 =	vld [tilespmem:s10+$0x70]  }
0x9f: {  	v24 =	vadd.s32 v16, v17;
	v25 =	vmov s17;
	v19 =	vshll.u32 v19, v1;
	v17 =	vld [tilespmem:s10+$0xFFFFFF90]  }
0xa0: {  	v25 =	vshrl.u32 v25, $0x3;
	s18 =	simm.s32 $0x4;
	v26 =	vld [tilespmem:s10+$0xFFFFFFA0];
	v27 =	vadd.s32 v3, v18;
	v19 =	vbroadcast v19, $0x0  }
0xa1: {  	v28 =	vld [tilespmem:s10+$0xFFFFFFB0];
	v29 =	vadd.s32 v4, v18;
	v18 =	vshll.u32 v25, v1;
	v25 =	vmov s18  }
0xa2: {  	s14 =	simm.s32 $0x5;
	v31 =	vld [tilespmem:s10+$0xFFFFFFC0];
	v30 =	vbroadcast v18, $0x0;
	v18 =	vshrl.u32 v25, $0x3;
	v62 =	vadd.s32 v5, v19  }
0xa3: {  	v63 =	vld [tilespmem:s10+$0xFFFFFFD0];
	v34 =	vadd.s32 v6, v19;
	[tilespmem:v22+s31+$0x0] =	vst.idx.msk $0xffff, v21;
	v21 =	vshll.u32 v18, v1;
	v22 =	vmov s14  }
0xa4: {  	s17 =	simm.s32 $0x6;
	v19 =	vadd.s32 v7, v30;
	v18 =	vld [tilespmem:s10+$0xFFFFFFE0];
	[tilespmem:v24+s31+$0x0] =	vst.idx.msk $0xffff, v23;
	v23 =	vbroadcast v21, $0x0;
	v22 =	vshrl.u32 v22, $0x3  }
0xa5: {  	v25 =	vadd.s32 v8, v30;
	[tilespmem:v27+s31+$0x0] =	vst.idx.msk $0xffff, v26;
	v27 =	vmov s17;
	v21 =	vld [tilespmem:s10+$0xFFFFFFF0];
	v24 =	vshll.u32 v22, v1  }
0xa6: {  	[tilespmem:v29+s31+$0x0] =	vst.idx.msk $0xffff, v28;
	v27 =	vshrl.u32 v27, $0x3;
	v22 =	vld [tilespmem:s10+$0x0];
	v26 =	vadd.s32 v9, v23;
	v28 =	vbroadcast v24, $0x0  }
0xa7: {  	s18 =	simm.s32 $0xF;
	v30 =	vshrl.u32 v20, $0x3;
	v20 =	vld [tilespmem:s10+$0x10];
	[tilespmem:v62+s31+$0x0] =	vst.idx.msk $0xffff, v31;
	v29 =	vshll.u32 v27, v1;
	v24 =	vadd.s32 v10, v23  }
0xa8: {  	s13 =	simm.s32 $0x8;
	s14 =	simm.s32 $0x10;
	v31 =	vmov s18;
	[tilespmem:v34+s31+$0x0] =	vst.idx.msk $0xffff, v63;
	v23 =	vld [tilespmem:s10+$0x20];
	v29 =	vbroadcast v29, $0x0;
	v27 =	vadd.s32 v11, v28  }
.LBB2_5:
0xa9: {  	p0 =	slt.u32 s14, $0x78;
	v31 =	vshrl.u32 v31, $0x3;
	v30 =	vshll.u32 v30, v1;
	[tilespmem:v19+s31+$0x0] =	vst.idx.msk $0xffff, v18;
	v18 =	vld [tilespmem:s10+$0x30];
	v19 =	vadd.s32 v12, v28  }
0xaa: {  	s17 =	sadd.s32 $0x1, s13;
	v28 =	vshll.u32 v31, v1;
	v30 =	vbroadcast v30, $0x0;
	[tilespmem:v25+s31+$0x0] =	vst.idx.msk $0xffff, v21;
	v21 =	vld [tilespmem:s10+$0x40];
	v25 =	vadd.s32 v13, v29  }
0xab: {  	v31 =	vmov s17;
	v28 =	vbroadcast v28, $0x0;
	[tilespmem:v26+s31+$0x0] =	vst.idx.msk $0xffff, v22;
	v22 =	vld [tilespmem:s10+$0x50];
	v26 =	vadd.s32 v14, v29  }
0xac: {  	s17 =	sadd.s32 $0x2, s13;
	v29 =	vmov s13;
	v31 =	vshrl.u32 v31, $0x3;
	v32 =	vld [tilespmem:s10+$0xFFFFFF80];
	v33 =	vadd.s32 v0, v30;
	[tilespmem:v24+s31+$0x0] =	vst.idx.msk $0xffff, v20;
	s10 =	sadd.s32 $0x100, s10  }
0xad: {  	v20 =	vshll.u32 v31, v1;
	v24 =	vmov s17;
	v31 =	vld [tilespmem:s10+$0x60];
	v34 =	vadd.s32 v15, v28;
	[tilespmem:v27+s31+$0x0] =	vst.idx.msk $0xffff, v23  }
0xae: {  	s17 =	sadd.s32 $0x3, s13;
	v20 =	vbroadcast v20, $0x0;
	v23 =	vshrl.u32 v24, $0x3;
	v27 =	vadd.s32 v16, v28;
	v24 =	vld [tilespmem:s10+$0x70];
	[tilespmem:v19+s31+$0x0] =	vst.idx.msk $0xffff, v18  }
0xaf: {  	v18 =	vshll.u32 v23, v1;
	v19 =	vmov s17;
	v23 =	vadd.s32 v2, v30;
	v28 =	vld [tilespmem:s10+$0xFFFFFF90];
	[tilespmem:v25+s31+$0x0] =	vst.idx.msk $0xffff, v21  }
0xb0: {  	s17 =	sadd.s32 $0x4, s13;
	v25 =	vadd.s32 v3, v20;
	v18 =	vbroadcast v18, $0x0;
	v19 =	vshrl.u32 v19, $0x3;
	v21 =	vld [tilespmem:s10+$0xFFFFFFA0];
	[tilespmem:v26+s31+$0x0] =	vst.idx.msk $0xffff, v22  }
0xb1: {  	v20 =	vadd.s32 v4, v20;
	v19 =	vshll.u32 v19, v1;
	v26 =	vmov s17;
	v22 =	vld [tilespmem:s10+$0xFFFFFFB0];
	[tilespmem:v33+s31+$0x0] =	vst.idx.msk $0xffff, v32  }
0xb2: {  	s17 =	sadd.s32 $0x5, s13;
	v33 =	vadd.s32 v5, v18;
	v30 =	vbroadcast v19, $0x0;
	v19 =	vshrl.u32 v26, $0x3;
	v32 =	vld [tilespmem:s10+$0xFFFFFFC0];
	[tilespmem:v34+s31+$0x0] =	vst.idx.msk $0xffff, v31  }
0xb3: {  	v35 =	vadd.s32 v6, v18;
	v26 =	vshll.u32 v19, v1;
	v31 =	vmov s17;
	v34 =	vld [tilespmem:s10+$0xFFFFFFD0];
	[tilespmem:v27+s31+$0x0] =	vst.idx.msk $0xffff, v24  }
.Ltmp1:
0xb4: {  	s17 =	sadd.s32 $0x6, s13;
	s13 =	smov.u32 s14;
	v19 =	vadd.s32 v7, v30;
	v24 =	vbroadcast v26, $0x0;
	v26 =	vshrl.u32 v31, $0x3;
	v18 =	vld [tilespmem:s10+$0xFFFFFFE0];
	[tilespmem:v23+s31+$0x0] =	vst.idx.msk $0xffff, v17;
	v17 =	vmovc v28;
	(pc) =	sbr.rel @p0 .LBB2_5-.Ltmp1, $4  }
0xb5: {  	v27 =	vmov s17;
	v23 =	vshll.u32 v26, v1;
	[tilespmem:v25+s31+$0x0] =	vst.idx.msk $0xffff, v21;
	v21 =	vld [tilespmem:s10+$0xFFFFFFF0];
	v25 =	vadd.s32 v8, v30  }
0xb6: {  	v26 =	vadd.s32 v9, v24;
	v28 =	vbroadcast v23, $0x0;
	v23 =	vshrl.u32 v27, $0x3;
	[tilespmem:v20+s31+$0x0] =	vst.idx.msk $0xffff, v22;
	v22 =	vld [tilespmem:s10+$0x0]  }
0xb7: {  	s17 =	sadd.s32 $0x7, s14;
	v30 =	vshrl.u32 v29, $0x3;
	v24 =	vadd.s32 v10, v24;
	v29 =	vshll.u32 v23, v1;
	[tilespmem:v33+s31+$0x0] =	vst.idx.msk $0xffff, v32;
	v20 =	vld [tilespmem:s10+$0x10]  }
0xb8: {  	s14 =	sadd.s32 $0x8, s14;
	v31 =	vmov s17;
	v27 =	vadd.s32 v11, v28;
	v29 =	vbroadcast v29, $0x0;
	[tilespmem:v35+s31+$0x0] =	vst.idx.msk $0xffff, v34;
	v23 =	vld [tilespmem:s10+$0x20]  }
0xb9: {  	_ =	sdelay $0x2  }
0xba: {  	v31 =	vshrl.u32 v31, $0x3;
	v30 =	vshll.u32 v30, v1  }
0xbb: {  	[tilespmem:v19+s31+$0x0] =	vst.idx.msk $0xffff, v18;
	v18 =	vld [tilespmem:s10+$0x30];
	v19 =	vadd.s32 v12, v28;
	s14 =	sadd.s32 $0x1, s13;
	v54 =	vshll.u32 v31, v1;
	v30 =	vbroadcast v30, $0x0  }
0xbc: {  	v55 =	vld [tilespmem:s10+$0x40];
	s18 =	sadd.s32 $0x2, s13;
	[tilespmem:v25+s31+$0x0] =	vst.idx.msk $0xffff, v21;
	v56 =	vadd.s32 v13, v29;
	v57 =	vmov s14;
	v59 =	vadd.s32 v14, v29  }
0xbd: {  	v58 =	vld [tilespmem:s10+$0x50];
	v63 =	vmov s18;
	v28 =	vbroadcast v54, $0x0;
	[tilespmem:v26+s31+$0x0] =	vst.idx.msk $0xffff, v22;
	v60 =	vshrl.u32 v57, $0x3  }
0xbe: {  	v61 =	vld [tilespmem:s10+$0xFFFFFF80];
	s10 =	sadd.s32 $0x100, s10;
	s18 =	sadd.s32 $0x4, s13;
	v37 =	vshrl.u32 v63, $0x3;
	v32 =	vadd.s32 v0, v30;
	[tilespmem:v24+s31+$0x0] =	vst.idx.msk $0xffff, v20;
	v62 =	vshll.u32 v60, v1  }
0xbf: {  	v36 =	vld [tilespmem:s10+$0x60];
	v44 =	vmov s18;
	v40 =	vadd.s32 v2, v30;
	v33 =	vadd.s32 v15, v28;
	[tilespmem:v27+s31+$0x0] =	vst.idx.msk $0xffff, v23  }
0xc0: {  	s17 =	sadd.s32 $0x3, s13;
	v26 =	vshrl.u32 v44, $0x3;
	v20 =	vbroadcast v62, $0x0;
	v39 =	vadd.s32 v16, v28;
	[tilespmem:v19+s31+$0x0] =	vst.idx.msk $0xffff, v18  }
0xc1: {  	v38 =	vld [tilespmem:s10+$0x70];
	v26 =	vshll.u32 v26, v1;
	v18 =	vshll.u32 v37, v1;
	v19 =	vmov s17;
	[tilespmem:v56+s31+$0x0] =	vst.idx.msk $0xffff, v55  }
0xc2: {  	v41 =	vld [tilespmem:s10+$0xFFFFFFA0];
	s17 =	sadd.s32 $0x5, s13;
	v26 =	vbroadcast v26, $0x0;
	v42 =	vadd.s32 v3, v20;
	v18 =	vbroadcast v18, $0x0;
	[tilespmem:v59+s31+$0x0] =	vst.idx.msk $0xffff, v58  }
0xc3: {  	v43 =	vld [tilespmem:s10+$0xFFFFFFB0];
	v19 =	vshrl.u32 v19, $0x3;
	v20 =	vadd.s32 v4, v20;
	v48 =	vmov s17;
	[tilespmem:v32+s31+$0x0] =	vst.idx.msk $0xffff, v61  }
0xc4: {  	v45 =	vld [tilespmem:s10+$0xFFFFFFC0];
	v55 =	vmov s13;
	v19 =	vshll.u32 v19, v1;
	v46 =	vadd.s32 v5, v18;
	[tilespmem:v33+s31+$0x0] =	vst.idx.msk $0xffff, v36  }
0xc5: {  	v47 =	vld [tilespmem:s10+$0xFFFFFFD0];
	v31 =	vshrl.u32 v48, $0x3;
	v19 =	vbroadcast v19, $0x0;
	v18 =	vadd.s32 v6, v18;
	[tilespmem:v40+s31+$0x0] =	vst.idx.msk $0xffff, v17  }
0xc6: {  	v53 =	vld [tilespmem:s10+$0x0];
	v54 =	vadd.s32 v9, v26;
	v25 =	vshrl.u32 v55, $0x3;
	v52 =	vshll.u32 v31, v1;
	[tilespmem:v39+s31+$0x0] =	vst.idx.msk $0xffff, v38  }
0xc7: {  	v49 =	vld [tilespmem:s10+$0xFFFFFFE0];
	s18 =	sadd.s32 $0x6, s13;
	v25 =	vshll.u32 v25, v1;
	v50 =	vadd.s32 v7, v19;
	[tilespmem:v42+s31+$0x0] =	vst.idx.msk $0xffff, v41  }
0xc8: {  	v51 =	vld [tilespmem:s10+$0xFFFFFFF0];
	v17 =	vmov s18;
	v23 =	vbroadcast v52, $0x0;
	v19 =	vadd.s32 v8, v19;
	[tilespmem:v20+s31+$0x0] =	vst.idx.msk $0xffff, v43  }
0xc9: {  	v56 =	vld [tilespmem:s10+$0x10];
	v26 =	vadd.s32 v10, v26;
	v25 =	vbroadcast v25, $0x0;
	v17 =	vshrl.u32 v17, $0x3;
	[tilespmem:v46+s31+$0x0] =	vst.idx.msk $0xffff, v45  }
0xca: {  	v17 =	vshll.u32 v17, v1;
	v57 =	vadd.s32 v11, v23;
	[tilespmem:v18+s31+$0x0] =	vst.idx.msk $0xffff, v47;
	v18 =	vld [tilespmem:s10+$0x20]  }
0xcb: {  	v61 =	vld [tilespmem:s10+$0xFFFFFF80];
	v62 =	vadd.s32 v0, v25;
	v17 =	vbroadcast v17, $0x0;
	[tilespmem:v54+s31+$0x0] =	vst.idx.msk $0xffff, v53  }
0xcc: {  	v58 =	vld [tilespmem:s10+$0x30];
	v23 =	vadd.s32 v12, v23;
	[tilespmem:v50+s31+$0x0] =	vst.idx.msk $0xffff, v49  }
0xcd: {  	v59 =	vadd.s32 v13, v17;
	[tilespmem:v19+s31+$0x0] =	vst.idx.msk $0xffff, v51;
	v19 =	vld [tilespmem:s10+$0x40]  }
0xce: {  	v60 =	vld [tilespmem:s10+$0x50];
	[tilespmem:v26+s31+$0x0] =	vst.idx.msk $0xffff, v56;
	v17 =	vadd.s32 v14, v17  }
0xcf: {  	v63 =	vld [tilespmem:s10+$0xFFFFFF90];
	[tilespmem:v57+s31+$0x0] =	vst.idx.msk $0xffff, v18;
	v18 =	vadd.s32 v2, v25  }
0xd0: {  	[tilespmem:v62+s31+$0x0] =	vst.idx.msk $0xffff, v61  }
0xd1: {  	[tilespmem:v23+s31+$0x0] =	vst.idx.msk $0xffff, v58  }
0xd2: {  	s0 =	sshll.u32 s0, $0x7;
	[tilespmem:v59+s31+$0x0] =	vst.idx.msk $0xffff, v19  }
0xd3: {  	s0 =	sor.u32 s3, s0;
	[tilespmem:v17+s31+$0x0] =	vst.idx.msk $0xffff, v60  }
0xd4: {  	s3 =	sadd.s32 s1, s0;
	[tilespmem:v18+s31+$0x0] =	vst.idx.msk $0xffff, v63  }
0xd5: {  	[hbm4b:s3+s2] =	stream.linear.scatter [tilespmem:s31], [sflag:$0x4], $0x80, $0x38;
	[tilespmem:$0x4300] =	vst v63  }
0xd6: {  	s14 =	simm.s32 $0x3288;
	s13 =	sadd.s32 $0x10, s3  }
0xd7: {  	[hbm4b:s13+s2] =	stream.linear.scatter [tilespmem:s14], [sflag:$0x4], $0x80, $0x38;
	[tilespmem:$0x4300] =	vst v63  }
0xd8: {  	s17 =	sadd.s32 $0x20, s3;
	s18 =	simm.s32 $0x3310  }
0xd9: {  	[hbm4b:s17+s2] =	stream.linear.scatter [tilespmem:s18], [sflag:$0x4], $0x80, $0x38;
	[tilespmem:$0x4300] =	vst v63  }
0xda: {  	s13 =	sadd.s32 $0x30, s3;
	s14 =	simm.s32 $0x3398  }
0xdb: {  	[hbm4b:s13+s2] =	stream.linear.scatter [tilespmem:s14], [sflag:$0x4], $0x80, $0x38;
	[tilespmem:$0x4300] =	vst v63  }
0xdc: {  	s17 =	sadd.s32 $0x40, s3;
	s18 =	simm.s32 $0x3420  }
0xdd: {  	[hbm4b:s17+s2] =	stream.linear.scatter [tilespmem:s18], [sflag:$0x4], $0x80, $0x38;
	[tilespmem:$0x4300] =	vst v63  }
0xde: {  	s13 =	sadd.s32 $0x50, s3;
	s14 =	simm.s32 $0x34A8  }
0xdf: {  	[hbm4b:s13+s2] =	stream.linear.scatter [tilespmem:s14], [sflag:$0x4], $0x80, $0x38;
	[tilespmem:$0x4300] =	vst v63  }
0xe0: {  	s17 =	sadd.s32 $0x60, s3;
	s18 =	simm.s32 $0x3530  }
0xe1: {  	[hbm4b:s17+s2] =	stream.linear.scatter [tilespmem:s18], [sflag:$0x4], $0x80, $0x38;
	[tilespmem:$0x4300] =	vst v63  }
0xe2: {  	s3 =	sadd.s32 $0x70, s3;
	s13 =	simm.s32 $0x35B8  }
0xe3: {  	[hbm4b:s3+s2] =	stream.linear.scatter [tilespmem:s13], [sflag:$0x4], $0x80, $0x38;
	[tilespmem:$0x4300] =	vst v63  }
0xe4: {  	s14 =	simm.s32 $0x3640;
	s3 =	sadd.s32 s0, s7  }
0xe5: {  	[hbm4b:s3+s2] =	stream.linear.scatter [tilespmem:s14], [sflag:$0x4], $0x80, $0x38;
	[tilespmem:$0x4300] =	vst v63  }
0xe6: {  	s18 =	simm.s32 $0x36C8;
	s17 =	sadd.s32 $0x10, s3  }
0xe7: {  	[hbm4b:s17+s2] =	stream.linear.scatter [tilespmem:s18], [sflag:$0x4], $0x80, $0x38;
	[tilespmem:$0x4300] =	vst v63  }
0xe8: {  	s13 =	sadd.s32 $0x20, s3;
	s14 =	simm.s32 $0x3750  }
0xe9: {  	[hbm4b:s13+s2] =	stream.linear.scatter [tilespmem:s14], [sflag:$0x4], $0x80, $0x38;
	[tilespmem:$0x4300] =	vst v63  }
0xea: {  	s17 =	sadd.s32 $0x30, s3;
	s18 =	simm.s32 $0x37D8  }
0xeb: {  	[hbm4b:s17+s2] =	stream.linear.scatter [tilespmem:s18], [sflag:$0x4], $0x80, $0x38;
	[tilespmem:$0x4300] =	vst v63  }
0xec: {  	s13 =	sadd.s32 $0x40, s3;
	s14 =	simm.s32 $0x3860  }
0xed: {  	[hbm4b:s13+s2] =	stream.linear.scatter [tilespmem:s14], [sflag:$0x4], $0x80, $0x38;
	[tilespmem:$0x4300] =	vst v63  }
0xee: {  	s17 =	sadd.s32 $0x50, s3;
	s18 =	simm.s32 $0x38E8  }
0xef: {  	[hbm4b:s17+s2] =	stream.linear.scatter [tilespmem:s18], [sflag:$0x4], $0x80, $0x38;
	[tilespmem:$0x4300] =	vst v63  }
0xf0: {  	s13 =	sadd.s32 $0x60, s3;
	s14 =	simm.s32 $0x3970  }
0xf1: {  	[hbm4b:s13+s2] =	stream.linear.scatter [tilespmem:s14], [sflag:$0x4], $0x80, $0x38;
	[tilespmem:$0x4300] =	vst v63  }
0xf2: {  	s3 =	sadd.s32 $0x70, s3;
	s17 =	simm.s32 $0x39F8  }
0xf3: {  	[hbm4b:s3+s2] =	stream.linear.scatter [tilespmem:s17], [sflag:$0x4], $0x80, $0x38;
	[tilespmem:$0x4300] =	vst v63  }
0xf4: {  	s18 =	simm.s32 $0x3A80;
	s3 =	sadd.s32 s0, s8  }
0xf5: {  	[hbm4b:s3+s2] =	stream.linear.scatter [tilespmem:s18], [sflag:$0x4], $0x80, $0x38;
	[tilespmem:$0x4300] =	vst v63  }
0xf6: {  	s14 =	simm.s32 $0x3B08;
	s13 =	sadd.s32 $0x10, s3  }
0xf7: {  	[hbm4b:s13+s2] =	stream.linear.scatter [tilespmem:s14], [sflag:$0x4], $0x80, $0x38;
	[tilespmem:$0x4300] =	vst v63  }
0xf8: {  	s17 =	sadd.s32 $0x20, s3;
	s18 =	simm.s32 $0x3B90  }
0xf9: {  	[hbm4b:s17+s2] =	stream.linear.scatter [tilespmem:s18], [sflag:$0x4], $0x80, $0x38;
	[tilespmem:$0x4300] =	vst v63  }
0xfa: {  	s13 =	sadd.s32 $0x30, s3;
	s14 =	simm.s32 $0x3C18  }
0xfb: {  	[hbm4b:s13+s2] =	stream.linear.scatter [tilespmem:s14], [sflag:$0x4], $0x80, $0x38;
	[tilespmem:$0x4300] =	vst v63  }
0xfc: {  	s17 =	sadd.s32 $0x40, s3;
	s18 =	simm.s32 $0x3CA0  }
0xfd: {  	[hbm4b:s17+s2] =	stream.linear.scatter [tilespmem:s18], [sflag:$0x4], $0x80, $0x38;
	[tilespmem:$0x4300] =	vst v63  }
0xfe: {  	s13 =	sadd.s32 $0x50, s3;
	s14 =	simm.s32 $0x3D28  }
0xff: {  	[hbm4b:s13+s2] =	stream.linear.scatter [tilespmem:s14], [sflag:$0x4], $0x80, $0x38;
	[tilespmem:$0x4300] =	vst v63  }
0x100: {  	s17 =	sadd.s32 $0x60, s3;
	s18 =	simm.s32 $0x3DB0  }
0x101: {  	[hbm4b:s17+s2] =	stream.linear.scatter [tilespmem:s18], [sflag:$0x4], $0x80, $0x38;
	[tilespmem:$0x4300] =	vst v63  }
0x102: {  	s3 =	sadd.s32 $0x70, s3;
	s14 =	simm.s32 $0x3E38  }
0x103: {  	[hbm4b:s3+s2] =	stream.linear.scatter [tilespmem:s14], [sflag:$0x4], $0x80, $0x38;
	[tilespmem:$0x4300] =	vst v63  }
0x104: {  	s0 =	sadd.s32 s0, s9;
	s17 =	simm.s32 $0x3EC0  }
0x105: {  	[hbm4b:s0+s2] =	stream.linear.scatter [tilespmem:s17], [sflag:$0x4], $0x80, $0x38;
	[tilespmem:$0x4300] =	vst v63  }
0x106: {  	s18 =	sadd.s32 $0x10, s0  }
0x107: {  	[hbm4b:s18+s2] =	stream.linear.scatter [tilespmem:s19], [sflag:$0x4], $0x80, $0x38;
	[tilespmem:$0x4300] =	vst v63  }
0x108: {  	s10 =	sadd.s32 $0x20, s0  }
0x109: {  	[hbm4b:s10+s2] =	stream.linear.scatter [tilespmem:s20], [sflag:$0x4], $0x80, $0x38;
	[tilespmem:$0x4300] =	vst v63  }
0x10a: {  	s13 =	sadd.s32 $0x30, s0  }
0x10b: {  	[hbm4b:s13+s2] =	stream.linear.scatter [tilespmem:s21], [sflag:$0x4], $0x80, $0x38;
	[tilespmem:$0x4300] =	vst v63  }
0x10c: {  	s14 =	sadd.s32 $0x40, s0  }
0x10d: {  	[hbm4b:s14+s2] =	stream.linear.scatter [tilespmem:s22], [sflag:$0x4], $0x80, $0x38;
	[tilespmem:$0x4300] =	vst v63  }
0x10e: {  	s17 =	sadd.s32 $0x50, s0  }
0x10f: {  	[hbm4b:s17+s2] =	stream.linear.scatter [tilespmem:s23], [sflag:$0x4], $0x80, $0x38;
	[tilespmem:$0x4300] =	vst v63  }
0x110: {  	s18 =	sadd.s32 $0x60, s0  }
0x111: {  	[hbm4b:s18+s2] =	stream.linear.scatter [tilespmem:s24], [sflag:$0x4], $0x80, $0x38;
	[tilespmem:$0x4300] =	vst v63  }
0x112: {  	s0 =	sadd.s32 $0x70, s0  }
0x113: {  	[hbm4b:s0+s2] =	stream.linear.scatter [tilespmem:s25], [sflag:$0x4], $0x80, $0x38;
	[tilespmem:$0x4300] =	vst v63  }
0x114: {  	_ =	swait.ge [sflag:s26], $0x400  }
0x115: {  	[sflag:s26] =	ssyncset.done $0x0  }
0x116: {  	[sflag:s26] =	ssyncadd.s32 $0xFFFFFC00  }
0x117: {  	_ =	swait.ge [sflag:s26], $0x400  }
0x118: {  	[sflag:s26] =	ssyncset.done $0x0  }
0x119: {  	[sflag:s26] =	ssyncadd.s32 $0xFFFFFC00  }
0x11a: {  	_ =	swait.ge [sflag:s26], $0x400  }
0x11b: {  	[sflag:s26] =	ssyncset.done $0x0  }
0x11c: {  	[sflag:s26] =	ssyncadd.s32 $0xFFFFFC00  }
0x11d: {  	_ =	swait.ge [sflag:s26], $0x400  }
0x11e: {  	[sflag:s26] =	ssyncset.done $0x0  }
0x11f: {  	[sflag:s26] =	ssyncadd.s32 $0xFFFFFC00  }
0x120: {  	_ =	swait.ge [sflag:s28], $0x400  }
0x121: {  	[sflag:s28] =	ssyncset.done $0x0  }
0x122: {  	[sflag:s28] =	ssyncadd.s32 $0xFFFFFC00  }
0x123: {  	_ =	swait.ge [sflag:s28], $0x400  }
0x124: {  	[sflag:s28] =	ssyncset.done $0x0  }
0x125: {  	s29 =	sadd.s32 $0x1, s29;
	[sflag:s28] =	ssyncadd.s32 $0xFFFFFC00  }
0x126: {  	p0 =	sne.s32 s29, $0x34;
	_ =	swait.ge [sflag:s28], $0x400  }
.Ltmp2:
0x127: {  	[sflag:s28] =	ssyncset.done $0x0;
	(pc) =	sbr.rel @p0 .LBB2_2-.Ltmp2, $4  }
0x128: {  	[sflag:s28] =	ssyncadd.s32 $0xFFFFFC00  }
0x129: {  	_ =	swait.ge [sflag:s28], $0x400  }
0x12a: {  	[sflag:s28] =	ssyncset.done $0x0  }
0x12b: {  	[sflag:s28] =	ssyncadd.s32 $0xFFFFFC00  }
0x12c: {  	s3 =	rddreg [dreg:$0x4]  }
0x12d: {  	s0 =	rddreg [dreg:$0x3];
	s3 =	sadd.s32 $0x1, s3  }
0x12e: {  	p0 =	sne.s32 s3, s0  }
.Ltmp3:
0x12f: {  	_ = 	snop;
	(pc) =	sbr.rel @p0 .LBB2_1-.Ltmp3, $1  }
0x130: {  	_ =	sdelay $0x3  }
0x131: {  	_ =	sfence.sel $0x180000  }
0x132: {  	[bflag:$0x0] =	sbarrier.arrive $0xFFFF  }
0x133: {  	_ =	strace $0x9000004A  }
0x134: {  	s0 =	stileid.u32;
	[bflag:$0x2] =	sbarrier.arrive $0xFFFF  }
0x135: {  	p0 =	sne.s32 s0, $0x0;
	s0 =	rddreg [dreg:$0x2]  }
0x136: {  	s0 =	sadd.s32 @!p0 $0x100000, s0  }
0x137: {  	[sflag:s0] =	ssyncadd.tile.s32 @!p0 $0x1;
	_ =	shalt  }
.Lfunc_end2:
_tile_overlayer_lowered:
.L_overlay_start_2:
0x138: {  	(tag) =	ssettag $0x2  }
0x139: {  	s0 =	rddreg [dreg:$0x0];
	s2 =	stileid.u32  }
0x13a: {  	s1 =	rddreg [dreg:$0x1];
	p0 =	sne.s32 s2, $0x0  }
0x13b: {  	s3 =	rddreg [dreg:$0x2];
	[bflag:$0x3] =	sbarrier.arrive $0xFFFF;
	s2 =	simm.s32 @!p0 $0x1C05  }
0x13c: {  	[timem:s3], [sflag:s2] =	dma.local @!p0 [hbm:s0], s1  }
0x13d: {  	s0 =	simm.s32 @!p0 $0x5  }
0x13e: {  	_ =	swait.ge @!p0 [sflag:s0], s1  }
0x13f: {  	s1 =	ssub.s32 @!p0 $0x0, s1;
	[sflag:s0] =	ssyncset.done @!p0 $0x0  }
0x140: {  	[sflag:s0] =	ssyncadd.s32 @!p0 s1  }
0x141: {  	[bflag:$0x3] =	sbarrier.arrive $0xFFFF  }
0x142: {  	_ =	shalt  }

</sc_bundles>
